<compile_context>
chip_gen: v7x
topology: tpu7x:2x2x1
jax: 0.10.2.dev20260603
libtpu: 0.0.44.dev20260713+nightly
codegen_flags: <defaults>
</compile_context>

<pallas_src>
import functools

import jax
import jax.numpy as jnp
from jax import lax
from jax.experimental import pallas as pl
from jax.experimental.pallas import tpu as pltpu
from jax.experimental.pallas import tpu_sc as plsc

N = 10000
E = 320000
D_IN = 128
D_H = 128
D_OUT = 64

NC = 2
NS = 16
NW = NC * NS
EPW = E // NW
CH = 80
NCHUNK = EPW // CH
RPS = N // NS
DEGW = 128

@functools.cache
def _mesh():
    return plsc.VectorSubcoreMesh(
        core_axis_name="c", subcore_axis_name="s",
        num_cores=NC, num_subcores=NS)


def _sc_degree(dst):
    ones_rows = jnp.ones((CH, DEGW), jnp.float32)
    zero_rows = jnp.zeros((RPS, DEGW), jnp.float32)

    @functools.partial(
        pl.kernel,
        out_type=jax.ShapeDtypeStruct((NC, NS, RPS, DEGW), jnp.float32),
        mesh=_mesh(),
        scratch_types=[
            pltpu.VMEM((CH,), jnp.int32),
            pltpu.VMEM((CH, DEGW), jnp.float32),
            pltpu.VMEM_SHARED((N, DEGW), jnp.float32),
        ],
    )
    def k(dst_hbm, ones_hbm, zero_hbm, out_hbm, dstv, onesv, acc):
        c = lax.axis_index("c")
        s = lax.axis_index("s")
        pltpu.sync_copy(zero_hbm, acc.at[pl.ds(s * RPS, RPS)])
        pltpu.sync_copy(ones_hbm, onesv)
        plsc.subcore_barrier()
        base_w = (c * NS + s) * EPW

        @pl.loop(0, NCHUNK)
        def _(ci):
            pltpu.sync_copy(dst_hbm.at[pl.ds(base_w + ci * CH, CH)], dstv)
            pltpu.sync_copy(onesv, acc.at[dstv], add=True)

        plsc.subcore_barrier()
        pltpu.sync_copy(acc.at[pl.ds(s * RPS, RPS)], out_hbm.at[c, s])

    return k(dst, ones_rows, zero_rows).reshape(NC, N, DEGW)


CHP = 120
NCK0 = 116
NCK1 = 52
EPW0 = CHP * NCK0
EPW1 = CHP * NCK1
E_P = NS * (EPW0 + EPW1)
ACC_N = 10080
RPS_P = ACC_N // NS


def _sc_aggregate(src_pad, dst_pad, y, d):
    zero_rows = jnp.zeros((RPS_P, d), jnp.float32)

    @functools.partial(
        pl.kernel,
        out_type=jax.ShapeDtypeStruct((NC, NS, RPS_P, d), jnp.float32),
        mesh=_mesh(),
        scratch_types=[
            pltpu.VMEM((CHP,), jnp.int32),
            pltpu.VMEM((CHP,), jnp.int32),
            pltpu.VMEM((CHP, d), jnp.float32),
            pltpu.VMEM((CHP,), jnp.int32),
            pltpu.VMEM((CHP,), jnp.int32),
            pltpu.VMEM((CHP, d), jnp.float32),
            pltpu.VMEM_SHARED((ACC_N, d), jnp.float32),
            pltpu.SemaphoreType.DMA,
            pltpu.SemaphoreType.DMA,
        ],
    )
    def k(src_hbm, dst_hbm, y_hbm, zero_hbm, out_hbm,
          sa, da, ra, sb, db, rb, acc, gsa, gsb):
        c = lax.axis_index("c")
        s = lax.axis_index("s")
        pltpu.sync_copy(zero_hbm, acc.at[pl.ds(s * RPS_P, RPS_P)])
        plsc.subcore_barrier()
        base_w = jnp.where(c == 0, s * EPW0, NS * EPW0 + s * EPW1)
        nck = jnp.where(c == 0, NCK0, NCK1)

        def load_idx(ci, sbuf, dbuf):
            pltpu.sync_copy(src_hbm.at[pl.ds(base_w + ci * CHP, CHP)], sbuf)
            pltpu.sync_copy(dst_hbm.at[pl.ds(base_w + ci * CHP, CHP)], dbuf)

        load_idx(0, sa, da)
        pltpu.async_copy(y_hbm.at[sa], ra, gsa)
        load_idx(1, sb, db)
        pltpu.async_copy(y_hbm.at[sb], rb, gsb)

        @pl.loop(0, nck, step=2)
        def _(i):
            pltpu.make_async_copy(y_hbm.at[sa], ra, gsa).wait()
            pltpu.sync_copy(ra, acc.at[da], add=True)

            @pl.when(i + 2 < nck)
            def _():
                load_idx(i + 2, sa, da)
                pltpu.async_copy(y_hbm.at[sa], ra, gsa)

            pltpu.make_async_copy(y_hbm.at[sb], rb, gsb).wait()
            pltpu.sync_copy(rb, acc.at[db], add=True)

            @pl.when(i + 3 < nck)
            def _():
                load_idx(i + 3, sb, db)
                pltpu.async_copy(y_hbm.at[sb], rb, gsb)

        plsc.subcore_barrier()
        pltpu.sync_copy(acc.at[pl.ds(s * RPS_P, RPS_P)], out_hbm.at[c, s])

    return k(src_pad, dst_pad, y, zero_rows).reshape(NC, ACC_N, d)


_RB = 2000


def _tc_matmul(x, w):
    m, k = x.shape
    n = w.shape[1]

    def body(x_ref, w_ref, o_ref):
        o_ref[...] = jnp.dot(x_ref[...], w_ref[...],
                             preferred_element_type=jnp.float32)

    return pl.pallas_call(
        body,
        grid=(m // _RB,),
        in_specs=[pl.BlockSpec((_RB, k), lambda i: (i, 0)),
                  pl.BlockSpec((k, n), lambda i: (0, 0))],
        out_specs=pl.BlockSpec((_RB, n), lambda i: (i, 0)),
        out_shape=jax.ShapeDtypeStruct((m, n), jnp.float32),
    )(x, w)


def _tc_scale(xw, degp):
    def body(xw_ref, deg_ref, y_ref, dinv_ref):
        cnt = deg_ref[0, :, 0:1] + deg_ref[1, :, 0:1]
        dinv = lax.rsqrt(cnt + 1.0)
        dinv_ref[...] = dinv
        y_ref[...] = dinv * xw_ref[...]

    return pl.pallas_call(
        body,
        grid=(N // _RB,),
        in_specs=[pl.BlockSpec((_RB, D_H), lambda i: (i, 0)),
                  pl.BlockSpec((NC, _RB, DEGW), lambda i: (0, i, 0))],
        out_specs=[pl.BlockSpec((_RB, D_H), lambda i: (i, 0)),
                   pl.BlockSpec((_RB, 1), lambda i: (i, 0))],
        out_shape=[jax.ShapeDtypeStruct((N, D_H), jnp.float32),
                   jax.ShapeDtypeStruct((N, 1), jnp.float32)],
    )(xw, degp)


def _tc_hidden(p, y1, dinv, b1):
    def body(p_ref, y1_ref, dinv_ref, b1_ref, g_ref):
        agg = p_ref[0] + p_ref[1] + y1_ref[...]
        h = jnp.maximum(dinv_ref[...] * agg + b1_ref[...], 0.0)
        g_ref[...] = dinv_ref[...] * h

    return pl.pallas_call(
        body,
        grid=(N // _RB,),
        in_specs=[pl.BlockSpec((NC, _RB, D_H), lambda i: (0, i, 0)),
                  pl.BlockSpec((_RB, D_H), lambda i: (i, 0)),
                  pl.BlockSpec((_RB, 1), lambda i: (i, 0)),
                  pl.BlockSpec((1, D_H), lambda i: (0, 0))],
        out_specs=pl.BlockSpec((_RB, D_H), lambda i: (i, 0)),
        out_shape=jax.ShapeDtypeStruct((N, D_H), jnp.float32),
    )(p, y1, dinv, b1)


def _tc_final(q, g, dinv, w2, b2):
    def body(q_ref, g_ref, dinv_ref, w2_ref, b2_ref, o_ref):
        agg = dinv_ref[...] * (q_ref[0] + q_ref[1] + g_ref[...])
        o = jnp.dot(agg, w2_ref[...],
                    preferred_element_type=jnp.float32) + b2_ref[...]
        m = jnp.max(o, axis=1, keepdims=True)
        lse = jnp.log(jnp.sum(jnp.exp(o - m), axis=1, keepdims=True)) + m
        o_ref[...] = o - lse

    return pl.pallas_call(
        body,
        grid=(N // _RB,),
        in_specs=[pl.BlockSpec((NC, _RB, D_H), lambda i: (0, i, 0)),
                  pl.BlockSpec((_RB, D_H), lambda i: (i, 0)),
                  pl.BlockSpec((_RB, 1), lambda i: (i, 0)),
                  pl.BlockSpec((D_H, D_OUT), lambda i: (0, 0)),
                  pl.BlockSpec((1, D_OUT), lambda i: (0, 0))],
        out_specs=pl.BlockSpec((_RB, D_OUT), lambda i: (i, 0)),
        out_shape=jax.ShapeDtypeStruct((N, D_OUT), jnp.float32),
    )(q, g, dinv, w2, b2)


def kernel(x, edge_index, W1, b1, W2, b2):
    src = edge_index[0]
    dst = edge_index[1]
    pad = E_P - E
    src_pad = jnp.concatenate([src, jnp.zeros((pad,), jnp.int32)])
    fake_dst = N + (jnp.arange(pad, dtype=jnp.int32) % (ACC_N - N))
    dst_pad = jnp.concatenate([dst, fake_dst])
    b1r = b1.reshape(1, D_H)
    b2r = b2.reshape(1, D_OUT)

    degp = _sc_degree(dst)
    xw1 = _tc_matmul(x, W1)
    y1, dinv = _tc_scale(xw1, degp)
    p = _sc_aggregate(src_pad, dst_pad, y1, D_H)
    g = _tc_hidden(p, y1, dinv, b1r)
    q = _sc_aggregate(src_pad, dst_pad, g, D_H)
    return _tc_final(q, g, dinv, W2, b2r)

# --- scband reference (transcript-rebuilt; emitter-appended) ---
"""Pipeline reference for scband-gcn-84009560309789 (READ-ONLY COPY).

The authoritative reference and input builder live on the scoring server;
editing this copy changes nothing except your own understanding.
"""

import jax, jax.numpy as jnp
import numpy as np

N = 10000
E = 320000
D_IN = 128
D_H = 128
D_OUT = 64


def setup_inputs(seed: int = 0) -> dict:
    key = jax.random.key(seed)
    k0, k1, k2, k3, k4, k5 = jax.random.split(key, 6)
    x = jax.random.normal(k0, (N, D_IN), dtype=jnp.float32)
    edge_index = jax.random.randint(k1, (2, E), 0, N, dtype=jnp.int32)
    W1 = jax.random.normal(k2, (D_IN, D_H), dtype=jnp.float32) * (1.0 / np.sqrt(D_IN))
    b1 = jnp.zeros((D_H,), dtype=jnp.float32)
    W2 = jax.random.normal(k3, (D_H, D_OUT), dtype=jnp.float32) * (1.0 / np.sqrt(D_H))
    b2 = jnp.zeros((D_OUT,), dtype=jnp.float32)
    return {"x": x, "edge_index": edge_index, "W1": W1, "b1": b1, "W2": W2, "b2": b2}


def _gcn_conv(x, edge_index, W, b):
    # PyG GCNConv: x' = D^{-1/2} (A + I) D^{-1/2} (x W) + b
    n = x.shape[0]
    xw = x @ W
    loop = jnp.arange(n, dtype=edge_index.dtype)
    src = jnp.concatenate([edge_index[0], loop])
    dst = jnp.concatenate([edge_index[1], loop])
    deg = jnp.zeros((n,), dtype=xw.dtype).at[dst].add(1.0)
    deg_inv_sqrt = jax.lax.rsqrt(jnp.maximum(deg, 1.0))
    norm = deg_inv_sqrt[src] * deg_inv_sqrt[dst]
    msgs = jnp.take(xw, src, axis=0) * norm[:, None]
    out = jax.ops.segment_sum(msgs, dst, num_segments=n)
    return out + b


def reference(x, edge_index, W1, b1, W2, b2):
    h = _gcn_conv(x, edge_index, W1, b1)
    h = jax.nn.relu(h)
    # F.dropout(p=0.5) is identity in eval mode (training=False)
    out = _gcn_conv(h, edge_index, W2, b2)
    return jax.nn.log_softmax(out, axis=1)

if __name__ == "__main__":
    import jax
    _d = setup_inputs()
    print(jax.jit(kernel)(*tuple(_d.values())))

</pallas_src>

<mosaic_0001>
#map = affine_map<(d0, d1) -> (0)>
#map1 = affine_map<(d0, d1) -> (0, 0)>
#map2 = affine_map<(d0, d1) -> (0, 0, 0, 0)>
module attributes {stable_mosaic.version = 14 : i64} {
  func.func @k(%arg0: i32, %arg1: i32, %arg2: memref<322560xi32, #tpu.memory_space<hbm>>, %arg3: memref<322560xi32, #tpu.memory_space<hbm>>, %arg4: memref<10000x128xf32, #tpu.memory_space<hbm>>, %arg5: memref<630x128xf32, #tpu.memory_space<hbm>>, %arg6: memref<2x16x630x128xf32, #tpu.memory_space<hbm>>, %arg7: memref<120xi32, #tpu.memory_space<vmem>>, %arg8: memref<120xi32, #tpu.memory_space<vmem>>, %arg9: memref<120x128xf32, #tpu.memory_space<vmem>>, %arg10: memref<120xi32, #tpu.memory_space<vmem>>, %arg11: memref<120xi32, #tpu.memory_space<vmem>>, %arg12: memref<120x128xf32, #tpu.memory_space<vmem>>, %arg13: memref<10080x128xf32, #tpu.memory_space<vmem_shared>>, %arg14: memref<!tpu.dma_semaphore, #tpu.memory_space<semaphore_mem>>, %arg15: memref<!tpu.dma_semaphore, #tpu.memory_space<semaphore_mem>>) attributes {dimension_semantics = [#tpu.dimension_semantics<core_parallel>, #tpu.dimension_semantics<subcore_parallel>], iteration_bounds = array<i64: 2, 16>, scalar_prefetch = 0 : i64, scratch_operands = 9 : i64, tpu.core_type = #tpu.core_type<sc_vector_subcore>, window_params = [{transform_indices = #map}, {transform_indices = #map}, {transform_indices = #map1}, {transform_indices = #map1}, {transform_indices = #map2}]} {
    %mul3A = arith.constant 630 : i32
    %mul3A_0 = arith.muli %arg1, %mul3A : i32
    "tpu.region"() ({
      %run_scoped3A = tpu.sem_alloc : memref<!tpu.dma_semaphore, #tpu.memory_space<semaphore_mem>>
      %dma_start3A_43 = arith.constant 0 : i32
      %dma_start3A_44 = tpu.memref_slice %arg13[%mul3A_0, %dma_start3A_43] : memref<10080x128xf32, #tpu.memory_space<vmem_shared>> -> memref<630x128xf32, #tpu.memory_space<vmem_shared>>
      tpu.enqueue_dma source(%arg5 : memref<630x128xf32, #tpu.memory_space<hbm>>) target(%dma_start3A_44 : memref<630x128xf32, #tpu.memory_space<vmem_shared>>) target_semaphore(%run_scoped3A : memref<!tpu.dma_semaphore, #tpu.memory_space<semaphore_mem>>)
      %dma_wait3A = arith.constant 0 : i32
      %dma_wait3A_45 = tpu.memref_slice %arg13[%mul3A_0, %dma_wait3A] : memref<10080x128xf32, #tpu.memory_space<vmem_shared>> -> memref<630x128xf32, #tpu.memory_space<vmem_shared>>
      tpu.wait_dma2 semaphore(%run_scoped3A : memref<!tpu.dma_semaphore, #tpu.memory_space<semaphore_mem>>) src(%arg5 : memref<630x128xf32, #tpu.memory_space<hbm>>) dst(%dma_wait3A_45 : memref<630x128xf32, #tpu.memory_space<vmem_shared>>)
      tpu.yield
    }) : () -> ()
    %barrier3A = arith.constant 0 : index
    tpu.barrier barrier_id(%barrier3A)
    %eq3A = arith.constant 0 : i32
    %eq3A_1 = arith.cmpi eq, %arg0, %eq3A : i32
    %mul3A_2 = arith.constant 13920 : i32
    %mul3A_3 = arith.muli %arg1, %mul3A_2 : i32
    %mul3A_4 = arith.constant 6240 : i32
    %mul3A_5 = arith.muli %arg1, %mul3A_4 : i32
    %add3A = arith.constant 222720 : i32
    %add3A_6 = arith.addi %add3A, %mul3A_5 : i32
    %select_n3A = arith.select %eq3A_1, %mul3A_3, %add3A_6 : i32
    %eq3A_7 = arith.constant 0 : i32
    %eq3A_8 = arith.cmpi eq, %arg0, %eq3A_7 : i32
    %jit3A = arith.constant 116 : i32
    %jit3A_9 = arith.constant 52 : i32
    %select_n3A_10 = arith.select %eq3A_8, %jit3A, %jit3A_9 : i32
    %add3A_11 = arith.constant 0 : i32
    %add3A_12 = arith.addi %select_n3A, %add3A_11 : i32
    "tpu.region"() ({
      %run_scoped3A = tpu.sem_alloc : memref<!tpu.dma_semaphore, #tpu.memory_space<semaphore_mem>>
      %dma_start3A_43 = tpu.memref_slice %arg2[%add3A_12] : memref<322560xi32, #tpu.memory_space<hbm>> -> memref<120xi32, #tpu.memory_space<hbm>>
      %dma_start3A_44 = tpu.memref_slice %arg2[%add3A_12] : memref<322560xi32, #tpu.memory_space<hbm>> -> memref<120xi32, #tpu.memory_space<hbm>>
      tpu.enqueue_dma source(%dma_start3A_44 : memref<120xi32, #tpu.memory_space<hbm>>) target(%arg7 : memref<120xi32, #tpu.memory_space<vmem>>) target_semaphore(%run_scoped3A : memref<!tpu.dma_semaphore, #tpu.memory_space<semaphore_mem>>)
      %dma_wait3A = tpu.memref_slice %arg2[%add3A_12] : memref<322560xi32, #tpu.memory_space<hbm>> -> memref<120xi32, #tpu.memory_space<hbm>>
      %dma_wait3A_45 = tpu.memref_slice %arg2[%add3A_12] : memref<322560xi32, #tpu.memory_space<hbm>> -> memref<120xi32, #tpu.memory_space<hbm>>
      tpu.wait_dma2 semaphore(%run_scoped3A : memref<!tpu.dma_semaphore, #tpu.memory_space<semaphore_mem>>) src(%dma_wait3A_45 : memref<120xi32, #tpu.memory_space<hbm>>) dst(%arg7 : memref<120xi32, #tpu.memory_space<vmem>>)
      tpu.yield
    }) : () -> ()
    %add3A_13 = arith.constant 0 : i32
    %add3A_14 = arith.addi %select_n3A, %add3A_13 : i32
    "tpu.region"() ({
      %run_scoped3A = tpu.sem_alloc : memref<!tpu.dma_semaphore, #tpu.memory_space<semaphore_mem>>
      %dma_start3A_43 = tpu.memref_slice %arg3[%add3A_14] : memref<322560xi32, #tpu.memory_space<hbm>> -> memref<120xi32, #tpu.memory_space<hbm>>
      %dma_start3A_44 = tpu.memref_slice %arg3[%add3A_14] : memref<322560xi32, #tpu.memory_space<hbm>> -> memref<120xi32, #tpu.memory_space<hbm>>
      tpu.enqueue_dma source(%dma_start3A_44 : memref<120xi32, #tpu.memory_space<hbm>>) target(%arg8 : memref<120xi32, #tpu.memory_space<vmem>>) target_semaphore(%run_scoped3A : memref<!tpu.dma_semaphore, #tpu.memory_space<semaphore_mem>>)
      %dma_wait3A = tpu.memref_slice %arg3[%add3A_14] : memref<322560xi32, #tpu.memory_space<hbm>> -> memref<120xi32, #tpu.memory_space<hbm>>
      %dma_wait3A_45 = tpu.memref_slice %arg3[%add3A_14] : memref<322560xi32, #tpu.memory_space<hbm>> -> memref<120xi32, #tpu.memory_space<hbm>>
      tpu.wait_dma2 semaphore(%run_scoped3A : memref<!tpu.dma_semaphore, #tpu.memory_space<semaphore_mem>>) src(%dma_wait3A_45 : memref<120xi32, #tpu.memory_space<hbm>>) dst(%arg8 : memref<120xi32, #tpu.memory_space<vmem>>)
      tpu.yield
    }) : () -> ()
    %dma_start3A = arith.constant 0 : i32
    %dma_start3A_15 = arith.constant 0 : i32
    %dma_start3A_16 = tpu.memref_slice %arg4[%dma_start3A, %dma_start3A_15] : memref<10000x128xf32, #tpu.memory_space<hbm>> -> memref<10000x128xf32, #tpu.memory_space<hbm>>
    tpu.enqueue_indirect_dma source(%dma_start3A_16 : memref<10000x128xf32, #tpu.memory_space<hbm>>) target(%arg9 : memref<120x128xf32, #tpu.memory_space<vmem>>) offsets(%arg7 : memref<120xi32, #tpu.memory_space<vmem>>) semaphore(%arg14 : memref<!tpu.dma_semaphore, #tpu.memory_space<semaphore_mem>>)
    %add3A_17 = arith.constant 120 : i32
    %add3A_18 = arith.addi %select_n3A, %add3A_17 : i32
    "tpu.region"() ({
      %run_scoped3A = tpu.sem_alloc : memref<!tpu.dma_semaphore, #tpu.memory_space<semaphore_mem>>
      %dma_start3A_43 = tpu.memref_slice %arg2[%add3A_18] : memref<322560xi32, #tpu.memory_space<hbm>> -> memref<120xi32, #tpu.memory_space<hbm>>
      %dma_start3A_44 = tpu.memref_slice %arg2[%add3A_18] : memref<322560xi32, #tpu.memory_space<hbm>> -> memref<120xi32, #tpu.memory_space<hbm>>
      tpu.enqueue_dma source(%dma_start3A_44 : memref<120xi32, #tpu.memory_space<hbm>>) target(%arg10 : memref<120xi32, #tpu.memory_space<vmem>>) target_semaphore(%run_scoped3A : memref<!tpu.dma_semaphore, #tpu.memory_space<semaphore_mem>>)
      %dma_wait3A = tpu.memref_slice %arg2[%add3A_18] : memref<322560xi32, #tpu.memory_space<hbm>> -> memref<120xi32, #tpu.memory_space<hbm>>
      %dma_wait3A_45 = tpu.memref_slice %arg2[%add3A_18] : memref<322560xi32, #tpu.memory_space<hbm>> -> memref<120xi32, #tpu.memory_space<hbm>>
      tpu.wait_dma2 semaphore(%run_scoped3A : memref<!tpu.dma_semaphore, #tpu.memory_space<semaphore_mem>>) src(%dma_wait3A_45 : memref<120xi32, #tpu.memory_space<hbm>>) dst(%arg10 : memref<120xi32, #tpu.memory_space<vmem>>)
      tpu.yield
    }) : () -> ()
    %add3A_19 = arith.constant 120 : i32
    %add3A_20 = arith.addi %select_n3A, %add3A_19 : i32
    "tpu.region"() ({
      %run_scoped3A = tpu.sem_alloc : memref<!tpu.dma_semaphore, #tpu.memory_space<semaphore_mem>>
      %dma_start3A_43 = tpu.memref_slice %arg3[%add3A_20] : memref<322560xi32, #tpu.memory_space<hbm>> -> memref<120xi32, #tpu.memory_space<hbm>>
      %dma_start3A_44 = tpu.memref_slice %arg3[%add3A_20] : memref<322560xi32, #tpu.memory_space<hbm>> -> memref<120xi32, #tpu.memory_space<hbm>>
      tpu.enqueue_dma source(%dma_start3A_44 : memref<120xi32, #tpu.memory_space<hbm>>) target(%arg11 : memref<120xi32, #tpu.memory_space<vmem>>) target_semaphore(%run_scoped3A : memref<!tpu.dma_semaphore, #tpu.memory_space<semaphore_mem>>)
      %dma_wait3A = tpu.memref_slice %arg3[%add3A_20] : memref<322560xi32, #tpu.memory_space<hbm>> -> memref<120xi32, #tpu.memory_space<hbm>>
      %dma_wait3A_45 = tpu.memref_slice %arg3[%add3A_20] : memref<322560xi32, #tpu.memory_space<hbm>> -> memref<120xi32, #tpu.memory_space<hbm>>
      tpu.wait_dma2 semaphore(%run_scoped3A : memref<!tpu.dma_semaphore, #tpu.memory_space<semaphore_mem>>) src(%dma_wait3A_45 : memref<120xi32, #tpu.memory_space<hbm>>) dst(%arg11 : memref<120xi32, #tpu.memory_space<vmem>>)
      tpu.yield
    }) : () -> ()
    %dma_start3A_21 = arith.constant 0 : i32
    %dma_start3A_22 = arith.constant 0 : i32
    %dma_start3A_23 = tpu.memref_slice %arg4[%dma_start3A_21, %dma_start3A_22] : memref<10000x128xf32, #tpu.memory_space<hbm>> -> memref<10000x128xf32, #tpu.memory_space<hbm>>
    tpu.enqueue_indirect_dma source(%dma_start3A_23 : memref<10000x128xf32, #tpu.memory_space<hbm>>) target(%arg12 : memref<120x128xf32, #tpu.memory_space<vmem>>) offsets(%arg10 : memref<120xi32, #tpu.memory_space<vmem>>) semaphore(%arg15 : memref<!tpu.dma_semaphore, #tpu.memory_space<semaphore_mem>>)
    %sub3A = arith.constant 0 : i32
    %sub3A_24 = arith.subi %select_n3A_10, %sub3A : i32
    %sub3A_25 = arith.constant 2 : i32
    %sub3A_26 = arith.constant 1 : i32
    %sub3A_27 = arith.subi %sub3A_25, %sub3A_26 : i32
    %add3A_28 = arith.addi %sub3A_24, %sub3A_27 : i32
    %div3A = arith.constant 2 : i32
    %div3A_29 = arith.divsi %add3A_28, %div3A : i32
    %while3A = arith.constant 2 : i32
    %while3A_30 = arith.constant 0 : i32
    %while3A_31 = arith.constant 0 : i32
    %while3A_32 = arith.subi %div3A_29, %while3A_31 : i32
    %while3A_33 = arith.addi %while3A_31, %while3A_32 : i32
    %while3A_34 = arith.constant 1 : i32
    %while3A_35 = arith.divsi %while3A_32, %while3A_34 : i32
    %while3A_36 = arith.muli %while3A_35, %while3A_34 : i32
    %while3A_37 = arith.addi %while3A_31, %while3A_36 : i32
    %while3A_38 = arith.constant 1 : i32
    scf.for %while3A_43 = %while3A_31 to %while3A_37 step %while3A_38  : i32 {
      %mul3A_44 = arith.muli %while3A_43, %while3A : i32
      %add3A_45 = arith.addi %while3A_30, %mul3A_44 : i32
      %dma_wait3A = arith.constant 0 : i32
      %dma_wait3A_46 = arith.constant 0 : i32
      %dma_wait3A_47 = tpu.memref_slice %arg4[%dma_wait3A, %dma_wait3A_46] : memref<10000x128xf32, #tpu.memory_space<hbm>> -> memref<10000x128xf32, #tpu.memory_space<hbm>>
      tpu.wait_indirect_dma semaphore(%arg14 : memref<!tpu.dma_semaphore, #tpu.memory_space<semaphore_mem>>) src(%dma_wait3A_47 : memref<10000x128xf32, #tpu.memory_space<hbm>>) dst(%arg9 : memref<120x128xf32, #tpu.memory_space<vmem>>)
      "tpu.region"() ({
        %run_scoped3A = tpu.sem_alloc : memref<!tpu.dma_semaphore, #tpu.memory_space<semaphore_mem>>
        %dma_start3A_60 = arith.constant 0 : i32
        %dma_start3A_61 = arith.constant 0 : i32
        %dma_start3A_62 = tpu.memref_slice %arg13[%dma_start3A_60, %dma_start3A_61] : memref<10080x128xf32, #tpu.memory_space<vmem_shared>> -> memref<10080x128xf32, #tpu.memory_space<vmem_shared>>
        tpu.enqueue_indirect_dma source(%arg9 : memref<120x128xf32, #tpu.memory_space<vmem>>) target(%dma_start3A_62 : memref<10080x128xf32, #tpu.memory_space<vmem_shared>>) offsets(%arg8 : memref<120xi32, #tpu.memory_space<vmem>>) semaphore(%run_scoped3A : memref<!tpu.dma_semaphore, #tpu.memory_space<semaphore_mem>>) {add = true}
        %dma_wait3A_63 = arith.constant 0 : i32
        %dma_wait3A_64 = arith.constant 0 : i32
        %dma_wait3A_65 = tpu.memref_slice %arg13[%dma_wait3A_63, %dma_wait3A_64] : memref<10080x128xf32, #tpu.memory_space<vmem_shared>> -> memref<10080x128xf32, #tpu.memory_space<vmem_shared>>
        tpu.wait_indirect_dma semaphore(%run_scoped3A : memref<!tpu.dma_semaphore, #tpu.memory_space<semaphore_mem>>) src(%arg9 : memref<120x128xf32, #tpu.memory_space<vmem>>) dst(%dma_wait3A_65 : memref<10080x128xf32, #tpu.memory_space<vmem_shared>>)
        tpu.yield
      }) : () -> ()
      %add3A_48 = arith.constant 2 : i32
      %add3A_49 = arith.addi %add3A_45, %add3A_48 : i32
      %lt3A = arith.cmpi slt, %add3A_49, %select_n3A_10 : i32
      %convert_element_type3A = arith.extui %lt3A : i1 to i32
      %cond3A = arith.constant 0 : i32
      %cond3A_50 = arith.cmpi ne, %convert_element_type3A, %cond3A : i32
      scf.if %cond3A_50 {
        %add3A_60 = arith.constant 2 : i32
        %add3A_61 = arith.addi %add3A_45, %add3A_60 : i32
        %mul3A_62 = arith.constant 120 : i32
        %mul3A_63 = arith.muli %add3A_61, %mul3A_62 : i32
        %add3A_64 = arith.addi %select_n3A, %mul3A_63 : i32
        "tpu.region"() ({
          %run_scoped3A = tpu.sem_alloc : memref<!tpu.dma_semaphore, #tpu.memory_space<semaphore_mem>>
          %dma_start3A_71 = tpu.memref_slice %arg2[%add3A_64] : memref<322560xi32, #tpu.memory_space<hbm>> -> memref<120xi32, #tpu.memory_space<hbm>>
          %dma_start3A_72 = tpu.memref_slice %arg2[%add3A_64] : memref<322560xi32, #tpu.memory_space<hbm>> -> memref<120xi32, #tpu.memory_space<hbm>>
          tpu.enqueue_dma source(%dma_start3A_72 : memref<120xi32, #tpu.memory_space<hbm>>) target(%arg7 : memref<120xi32, #tpu.memory_space<vmem>>) target_semaphore(%run_scoped3A : memref<!tpu.dma_semaphore, #tpu.memory_space<semaphore_mem>>)
          %dma_wait3A_73 = tpu.memref_slice %arg2[%add3A_64] : memref<322560xi32, #tpu.memory_space<hbm>> -> memref<120xi32, #tpu.memory_space<hbm>>
          %dma_wait3A_74 = tpu.memref_slice %arg2[%add3A_64] : memref<322560xi32, #tpu.memory_space<hbm>> -> memref<120xi32, #tpu.memory_space<hbm>>
          tpu.wait_dma2 semaphore(%run_scoped3A : memref<!tpu.dma_semaphore, #tpu.memory_space<semaphore_mem>>) src(%dma_wait3A_74 : memref<120xi32, #tpu.memory_space<hbm>>) dst(%arg7 : memref<120xi32, #tpu.memory_space<vmem>>)
          tpu.yield
        }) : () -> ()
        %mul3A_65 = arith.constant 120 : i32
        %mul3A_66 = arith.muli %add3A_61, %mul3A_65 : i32
        %add3A_67 = arith.addi %select_n3A, %mul3A_66 : i32
        "tpu.region"() ({
          %run_scoped3A = tpu.sem_alloc : memref<!tpu.dma_semaphore, #tpu.memory_space<semaphore_mem>>
          %dma_start3A_71 = tpu.memref_slice %arg3[%add3A_67] : memref<322560xi32, #tpu.memory_space<hbm>> -> memref<120xi32, #tpu.memory_space<hbm>>
          %dma_start3A_72 = tpu.memref_slice %arg3[%add3A_67] : memref<322560xi32, #tpu.memory_space<hbm>> -> memref<120xi32, #tpu.memory_space<hbm>>
          tpu.enqueue_dma source(%dma_start3A_72 : memref<120xi32, #tpu.memory_space<hbm>>) target(%arg8 : memref<120xi32, #tpu.memory_space<vmem>>) target_semaphore(%run_scoped3A : memref<!tpu.dma_semaphore, #tpu.memory_space<semaphore_mem>>)
          %dma_wait3A_73 = tpu.memref_slice %arg3[%add3A_67] : memref<322560xi32, #tpu.memory_space<hbm>> -> memref<120xi32, #tpu.memory_space<hbm>>
          %dma_wait3A_74 = tpu.memref_slice %arg3[%add3A_67] : memref<322560xi32, #tpu.memory_space<hbm>> -> memref<120xi32, #tpu.memory_space<hbm>>
          tpu.wait_dma2 semaphore(%run_scoped3A : memref<!tpu.dma_semaphore, #tpu.memory_space<semaphore_mem>>) src(%dma_wait3A_74 : memref<120xi32, #tpu.memory_space<hbm>>) dst(%arg8 : memref<120xi32, #tpu.memory_space<vmem>>)
          tpu.yield
        }) : () -> ()
        %dma_start3A_68 = arith.constant 0 : i32
        %dma_start3A_69 = arith.constant 0 : i32
        %dma_start3A_70 = tpu.memref_slice %arg4[%dma_start3A_68, %dma_start3A_69] : memref<10000x128xf32, #tpu.memory_space<hbm>> -> memref<10000x128xf32, #tpu.memory_space<hbm>>
        tpu.enqueue_indirect_dma source(%dma_start3A_70 : memref<10000x128xf32, #tpu.memory_space<hbm>>) target(%arg9 : memref<120x128xf32, #tpu.memory_space<vmem>>) offsets(%arg7 : memref<120xi32, #tpu.memory_space<vmem>>) semaphore(%arg14 : memref<!tpu.dma_semaphore, #tpu.memory_space<semaphore_mem>>)
      } else {
      }
      %dma_wait3A_51 = arith.constant 0 : i32
      %dma_wait3A_52 = arith.constant 0 : i32
      %dma_wait3A_53 = tpu.memref_slice %arg4[%dma_wait3A_51, %dma_wait3A_52] : memref<10000x128xf32, #tpu.memory_space<hbm>> -> memref<10000x128xf32, #tpu.memory_space<hbm>>
      tpu.wait_indirect_dma semaphore(%arg15 : memref<!tpu.dma_semaphore, #tpu.memory_space<semaphore_mem>>) src(%dma_wait3A_53 : memref<10000x128xf32, #tpu.memory_space<hbm>>) dst(%arg12 : memref<120x128xf32, #tpu.memory_space<vmem>>)
      "tpu.region"() ({
        %run_scoped3A = tpu.sem_alloc : memref<!tpu.dma_semaphore, #tpu.memory_space<semaphore_mem>>
        %dma_start3A_60 = arith.constant 0 : i32
        %dma_start3A_61 = arith.constant 0 : i32
        %dma_start3A_62 = tpu.memref_slice %arg13[%dma_start3A_60, %dma_start3A_61] : memref<10080x128xf32, #tpu.memory_space<vmem_shared>> -> memref<10080x128xf32, #tpu.memory_space<vmem_shared>>
        tpu.enqueue_indirect_dma source(%arg12 : memref<120x128xf32, #tpu.memory_space<vmem>>) target(%dma_start3A_62 : memref<10080x128xf32, #tpu.memory_space<vmem_shared>>) offsets(%arg11 : memref<120xi32, #tpu.memory_space<vmem>>) semaphore(%run_scoped3A : memref<!tpu.dma_semaphore, #tpu.memory_space<semaphore_mem>>) {add = true}
        %dma_wait3A_63 = arith.constant 0 : i32
        %dma_wait3A_64 = arith.constant 0 : i32
        %dma_wait3A_65 = tpu.memref_slice %arg13[%dma_wait3A_63, %dma_wait3A_64] : memref<10080x128xf32, #tpu.memory_space<vmem_shared>> -> memref<10080x128xf32, #tpu.memory_space<vmem_shared>>
        tpu.wait_indirect_dma semaphore(%run_scoped3A : memref<!tpu.dma_semaphore, #tpu.memory_space<semaphore_mem>>) src(%arg12 : memref<120x128xf32, #tpu.memory_space<vmem>>) dst(%dma_wait3A_65 : memref<10080x128xf32, #tpu.memory_space<vmem_shared>>)
        tpu.yield
      }) : () -> ()
      %add3A_54 = arith.constant 3 : i32
      %add3A_55 = arith.addi %add3A_45, %add3A_54 : i32
      %lt3A_56 = arith.cmpi slt, %add3A_55, %select_n3A_10 : i32
      %convert_element_type3A_57 = arith.extui %lt3A_56 : i1 to i32
      %cond3A_58 = arith.constant 0 : i32
      %cond3A_59 = arith.cmpi ne, %convert_element_type3A_57, %cond3A_58 : i32
      scf.if %cond3A_59 {
        %add3A_60 = arith.constant 3 : i32
        %add3A_61 = arith.addi %add3A_45, %add3A_60 : i32
        %mul3A_62 = arith.constant 120 : i32
        %mul3A_63 = arith.muli %add3A_61, %mul3A_62 : i32
        %add3A_64 = arith.addi %select_n3A, %mul3A_63 : i32
        "tpu.region"() ({
          %run_scoped3A = tpu.sem_alloc : memref<!tpu.dma_semaphore, #tpu.memory_space<semaphore_mem>>
          %dma_start3A_71 = tpu.memref_slice %arg2[%add3A_64] : memref<322560xi32, #tpu.memory_space<hbm>> -> memref<120xi32, #tpu.memory_space<hbm>>
          %dma_start3A_72 = tpu.memref_slice %arg2[%add3A_64] : memref<322560xi32, #tpu.memory_space<hbm>> -> memref<120xi32, #tpu.memory_space<hbm>>
          tpu.enqueue_dma source(%dma_start3A_72 : memref<120xi32, #tpu.memory_space<hbm>>) target(%arg10 : memref<120xi32, #tpu.memory_space<vmem>>) target_semaphore(%run_scoped3A : memref<!tpu.dma_semaphore, #tpu.memory_space<semaphore_mem>>)
          %dma_wait3A_73 = tpu.memref_slice %arg2[%add3A_64] : memref<322560xi32, #tpu.memory_space<hbm>> -> memref<120xi32, #tpu.memory_space<hbm>>
          %dma_wait3A_74 = tpu.memref_slice %arg2[%add3A_64] : memref<322560xi32, #tpu.memory_space<hbm>> -> memref<120xi32, #tpu.memory_space<hbm>>
          tpu.wait_dma2 semaphore(%run_scoped3A : memref<!tpu.dma_semaphore, #tpu.memory_space<semaphore_mem>>) src(%dma_wait3A_74 : memref<120xi32, #tpu.memory_space<hbm>>) dst(%arg10 : memref<120xi32, #tpu.memory_space<vmem>>)
          tpu.yield
        }) : () -> ()
        %mul3A_65 = arith.constant 120 : i32
        %mul3A_66 = arith.muli %add3A_61, %mul3A_65 : i32
        %add3A_67 = arith.addi %select_n3A, %mul3A_66 : i32
        "tpu.region"() ({
          %run_scoped3A = tpu.sem_alloc : memref<!tpu.dma_semaphore, #tpu.memory_space<semaphore_mem>>
          %dma_start3A_71 = tpu.memref_slice %arg3[%add3A_67] : memref<322560xi32, #tpu.memory_space<hbm>> -> memref<120xi32, #tpu.memory_space<hbm>>
          %dma_start3A_72 = tpu.memref_slice %arg3[%add3A_67] : memref<322560xi32, #tpu.memory_space<hbm>> -> memref<120xi32, #tpu.memory_space<hbm>>
          tpu.enqueue_dma source(%dma_start3A_72 : memref<120xi32, #tpu.memory_space<hbm>>) target(%arg11 : memref<120xi32, #tpu.memory_space<vmem>>) target_semaphore(%run_scoped3A : memref<!tpu.dma_semaphore, #tpu.memory_space<semaphore_mem>>)
          %dma_wait3A_73 = tpu.memref_slice %arg3[%add3A_67] : memref<322560xi32, #tpu.memory_space<hbm>> -> memref<120xi32, #tpu.memory_space<hbm>>
          %dma_wait3A_74 = tpu.memref_slice %arg3[%add3A_67] : memref<322560xi32, #tpu.memory_space<hbm>> -> memref<120xi32, #tpu.memory_space<hbm>>
          tpu.wait_dma2 semaphore(%run_scoped3A : memref<!tpu.dma_semaphore, #tpu.memory_space<semaphore_mem>>) src(%dma_wait3A_74 : memref<120xi32, #tpu.memory_space<hbm>>) dst(%arg11 : memref<120xi32, #tpu.memory_space<vmem>>)
          tpu.yield
        }) : () -> ()
        %dma_start3A_68 = arith.constant 0 : i32
        %dma_start3A_69 = arith.constant 0 : i32
        %dma_start3A_70 = tpu.memref_slice %arg4[%dma_start3A_68, %dma_start3A_69] : memref<10000x128xf32, #tpu.memory_space<hbm>> -> memref<10000x128xf32, #tpu.memory_space<hbm>>
        tpu.enqueue_indirect_dma source(%dma_start3A_70 : memref<10000x128xf32, #tpu.memory_space<hbm>>) target(%arg12 : memref<120x128xf32, #tpu.memory_space<vmem>>) offsets(%arg10 : memref<120xi32, #tpu.memory_space<vmem>>) semaphore(%arg15 : memref<!tpu.dma_semaphore, #tpu.memory_space<semaphore_mem>>)
      } else {
      }
    }
    %while3A_39 = arith.constant 1 : i32
    scf.for %while3A_43 = %while3A_37 to %while3A_33 step %while3A_39  : i32 {
      %mul3A_44 = arith.muli %while3A_43, %while3A : i32
      %add3A_45 = arith.addi %while3A_30, %mul3A_44 : i32
      %dma_wait3A = arith.constant 0 : i32
      %dma_wait3A_46 = arith.constant 0 : i32
      %dma_wait3A_47 = tpu.memref_slice %arg4[%dma_wait3A, %dma_wait3A_46] : memref<10000x128xf32, #tpu.memory_space<hbm>> -> memref<10000x128xf32, #tpu.memory_space<hbm>>
      tpu.wait_indirect_dma semaphore(%arg14 : memref<!tpu.dma_semaphore, #tpu.memory_space<semaphore_mem>>) src(%dma_wait3A_47 : memref<10000x128xf32, #tpu.memory_space<hbm>>) dst(%arg9 : memref<120x128xf32, #tpu.memory_space<vmem>>)
      "tpu.region"() ({
        %run_scoped3A = tpu.sem_alloc : memref<!tpu.dma_semaphore, #tpu.memory_space<semaphore_mem>>
        %dma_start3A_60 = arith.constant 0 : i32
        %dma_start3A_61 = arith.constant 0 : i32
        %dma_start3A_62 = tpu.memref_slice %arg13[%dma_start3A_60, %dma_start3A_61] : memref<10080x128xf32, #tpu.memory_space<vmem_shared>> -> memref<10080x128xf32, #tpu.memory_space<vmem_shared>>
        tpu.enqueue_indirect_dma source(%arg9 : memref<120x128xf32, #tpu.memory_space<vmem>>) target(%dma_start3A_62 : memref<10080x128xf32, #tpu.memory_space<vmem_shared>>) offsets(%arg8 : memref<120xi32, #tpu.memory_space<vmem>>) semaphore(%run_scoped3A : memref<!tpu.dma_semaphore, #tpu.memory_space<semaphore_mem>>) {add = true}
        %dma_wait3A_63 = arith.constant 0 : i32
        %dma_wait3A_64 = arith.constant 0 : i32
        %dma_wait3A_65 = tpu.memref_slice %arg13[%dma_wait3A_63, %dma_wait3A_64] : memref<10080x128xf32, #tpu.memory_space<vmem_shared>> -> memref<10080x128xf32, #tpu.memory_space<vmem_shared>>
        tpu.wait_indirect_dma semaphore(%run_scoped3A : memref<!tpu.dma_semaphore, #tpu.memory_space<semaphore_mem>>) src(%arg9 : memref<120x128xf32, #tpu.memory_space<vmem>>) dst(%dma_wait3A_65 : memref<10080x128xf32, #tpu.memory_space<vmem_shared>>)
        tpu.yield
      }) : () -> ()
      %add3A_48 = arith.constant 2 : i32
      %add3A_49 = arith.addi %add3A_45, %add3A_48 : i32
      %lt3A = arith.cmpi slt, %add3A_49, %select_n3A_10 : i32
      %convert_element_type3A = arith.extui %lt3A : i1 to i32
      %cond3A = arith.constant 0 : i32
      %cond3A_50 = arith.cmpi ne, %convert_element_type3A, %cond3A : i32
      scf.if %cond3A_50 {
        %add3A_60 = arith.constant 2 : i32
        %add3A_61 = arith.addi %add3A_45, %add3A_60 : i32
        %mul3A_62 = arith.constant 120 : i32
        %mul3A_63 = arith.muli %add3A_61, %mul3A_62 : i32
        %add3A_64 = arith.addi %select_n3A, %mul3A_63 : i32
        "tpu.region"() ({
          %run_scoped3A = tpu.sem_alloc : memref<!tpu.dma_semaphore, #tpu.memory_space<semaphore_mem>>
          %dma_start3A_71 = tpu.memref_slice %arg2[%add3A_64] : memref<322560xi32, #tpu.memory_space<hbm>> -> memref<120xi32, #tpu.memory_space<hbm>>
          %dma_start3A_72 = tpu.memref_slice %arg2[%add3A_64] : memref<322560xi32, #tpu.memory_space<hbm>> -> memref<120xi32, #tpu.memory_space<hbm>>
          tpu.enqueue_dma source(%dma_start3A_72 : memref<120xi32, #tpu.memory_space<hbm>>) target(%arg7 : memref<120xi32, #tpu.memory_space<vmem>>) target_semaphore(%run_scoped3A : memref<!tpu.dma_semaphore, #tpu.memory_space<semaphore_mem>>)
          %dma_wait3A_73 = tpu.memref_slice %arg2[%add3A_64] : memref<322560xi32, #tpu.memory_space<hbm>> -> memref<120xi32, #tpu.memory_space<hbm>>
          %dma_wait3A_74 = tpu.memref_slice %arg2[%add3A_64] : memref<322560xi32, #tpu.memory_space<hbm>> -> memref<120xi32, #tpu.memory_space<hbm>>
          tpu.wait_dma2 semaphore(%run_scoped3A : memref<!tpu.dma_semaphore, #tpu.memory_space<semaphore_mem>>) src(%dma_wait3A_74 : memref<120xi32, #tpu.memory_space<hbm>>) dst(%arg7 : memref<120xi32, #tpu.memory_space<vmem>>)
          tpu.yield
        }) : () -> ()
        %mul3A_65 = arith.constant 120 : i32
        %mul3A_66 = arith.muli %add3A_61, %mul3A_65 : i32
        %add3A_67 = arith.addi %select_n3A, %mul3A_66 : i32
        "tpu.region"() ({
          %run_scoped3A = tpu.sem_alloc : memref<!tpu.dma_semaphore, #tpu.memory_space<semaphore_mem>>
          %dma_start3A_71 = tpu.memref_slice %arg3[%add3A_67] : memref<322560xi32, #tpu.memory_space<hbm>> -> memref<120xi32, #tpu.memory_space<hbm>>
          %dma_start3A_72 = tpu.memref_slice %arg3[%add3A_67] : memref<322560xi32, #tpu.memory_space<hbm>> -> memref<120xi32, #tpu.memory_space<hbm>>
          tpu.enqueue_dma source(%dma_start3A_72 : memref<120xi32, #tpu.memory_space<hbm>>) target(%arg8 : memref<120xi32, #tpu.memory_space<vmem>>) target_semaphore(%run_scoped3A : memref<!tpu.dma_semaphore, #tpu.memory_space<semaphore_mem>>)
          %dma_wait3A_73 = tpu.memref_slice %arg3[%add3A_67] : memref<322560xi32, #tpu.memory_space<hbm>> -> memref<120xi32, #tpu.memory_space<hbm>>
          %dma_wait3A_74 = tpu.memref_slice %arg3[%add3A_67] : memref<322560xi32, #tpu.memory_space<hbm>> -> memref<120xi32, #tpu.memory_space<hbm>>
          tpu.wait_dma2 semaphore(%run_scoped3A : memref<!tpu.dma_semaphore, #tpu.memory_space<semaphore_mem>>) src(%dma_wait3A_74 : memref<120xi32, #tpu.memory_space<hbm>>) dst(%arg8 : memref<120xi32, #tpu.memory_space<vmem>>)
          tpu.yield
        }) : () -> ()
        %dma_start3A_68 = arith.constant 0 : i32
        %dma_start3A_69 = arith.constant 0 : i32
        %dma_start3A_70 = tpu.memref_slice %arg4[%dma_start3A_68, %dma_start3A_69] : memref<10000x128xf32, #tpu.memory_space<hbm>> -> memref<10000x128xf32, #tpu.memory_space<hbm>>
        tpu.enqueue_indirect_dma source(%dma_start3A_70 : memref<10000x128xf32, #tpu.memory_space<hbm>>) target(%arg9 : memref<120x128xf32, #tpu.memory_space<vmem>>) offsets(%arg7 : memref<120xi32, #tpu.memory_space<vmem>>) semaphore(%arg14 : memref<!tpu.dma_semaphore, #tpu.memory_space<semaphore_mem>>)
      } else {
      }
      %dma_wait3A_51 = arith.constant 0 : i32
      %dma_wait3A_52 = arith.constant 0 : i32
      %dma_wait3A_53 = tpu.memref_slice %arg4[%dma_wait3A_51, %dma_wait3A_52] : memref<10000x128xf32, #tpu.memory_space<hbm>> -> memref<10000x128xf32, #tpu.memory_space<hbm>>
      tpu.wait_indirect_dma semaphore(%arg15 : memref<!tpu.dma_semaphore, #tpu.memory_space<semaphore_mem>>) src(%dma_wait3A_53 : memref<10000x128xf32, #tpu.memory_space<hbm>>) dst(%arg12 : memref<120x128xf32, #tpu.memory_space<vmem>>)
      "tpu.region"() ({
        %run_scoped3A = tpu.sem_alloc : memref<!tpu.dma_semaphore, #tpu.memory_space<semaphore_mem>>
        %dma_start3A_60 = arith.constant 0 : i32
        %dma_start3A_61 = arith.constant 0 : i32
        %dma_start3A_62 = tpu.memref_slice %arg13[%dma_start3A_60, %dma_start3A_61] : memref<10080x128xf32, #tpu.memory_space<vmem_shared>> -> memref<10080x128xf32, #tpu.memory_space<vmem_shared>>
        tpu.enqueue_indirect_dma source(%arg12 : memref<120x128xf32, #tpu.memory_space<vmem>>) target(%dma_start3A_62 : memref<10080x128xf32, #tpu.memory_space<vmem_shared>>) offsets(%arg11 : memref<120xi32, #tpu.memory_space<vmem>>) semaphore(%run_scoped3A : memref<!tpu.dma_semaphore, #tpu.memory_space<semaphore_mem>>) {add = true}
        %dma_wait3A_63 = arith.constant 0 : i32
        %dma_wait3A_64 = arith.constant 0 : i32
        %dma_wait3A_65 = tpu.memref_slice %arg13[%dma_wait3A_63, %dma_wait3A_64] : memref<10080x128xf32, #tpu.memory_space<vmem_shared>> -> memref<10080x128xf32, #tpu.memory_space<vmem_shared>>
        tpu.wait_indirect_dma semaphore(%run_scoped3A : memref<!tpu.dma_semaphore, #tpu.memory_space<semaphore_mem>>) src(%arg12 : memref<120x128xf32, #tpu.memory_space<vmem>>) dst(%dma_wait3A_65 : memref<10080x128xf32, #tpu.memory_space<vmem_shared>>)
        tpu.yield
      }) : () -> ()
      %add3A_54 = arith.constant 3 : i32
      %add3A_55 = arith.addi %add3A_45, %add3A_54 : i32
      %lt3A_56 = arith.cmpi slt, %add3A_55, %select_n3A_10 : i32
      %convert_element_type3A_57 = arith.extui %lt3A_56 : i1 to i32
      %cond3A_58 = arith.constant 0 : i32
      %cond3A_59 = arith.cmpi ne, %convert_element_type3A_57, %cond3A_58 : i32
      scf.if %cond3A_59 {
        %add3A_60 = arith.constant 3 : i32
        %add3A_61 = arith.addi %add3A_45, %add3A_60 : i32
        %mul3A_62 = arith.constant 120 : i32
        %mul3A_63 = arith.muli %add3A_61, %mul3A_62 : i32
        %add3A_64 = arith.addi %select_n3A, %mul3A_63 : i32
        "tpu.region"() ({
          %run_scoped3A = tpu.sem_alloc : memref<!tpu.dma_semaphore, #tpu.memory_space<semaphore_mem>>
          %dma_start3A_71 = tpu.memref_slice %arg2[%add3A_64] : memref<322560xi32, #tpu.memory_space<hbm>> -> memref<120xi32, #tpu.memory_space<hbm>>
          %dma_start3A_72 = tpu.memref_slice %arg2[%add3A_64] : memref<322560xi32, #tpu.memory_space<hbm>> -> memref<120xi32, #tpu.memory_space<hbm>>
          tpu.enqueue_dma source(%dma_start3A_72 : memref<120xi32, #tpu.memory_space<hbm>>) target(%arg10 : memref<120xi32, #tpu.memory_space<vmem>>) target_semaphore(%run_scoped3A : memref<!tpu.dma_semaphore, #tpu.memory_space<semaphore_mem>>)
          %dma_wait3A_73 = tpu.memref_slice %arg2[%add3A_64] : memref<322560xi32, #tpu.memory_space<hbm>> -> memref<120xi32, #tpu.memory_space<hbm>>
          %dma_wait3A_74 = tpu.memref_slice %arg2[%add3A_64] : memref<322560xi32, #tpu.memory_space<hbm>> -> memref<120xi32, #tpu.memory_space<hbm>>
          tpu.wait_dma2 semaphore(%run_scoped3A : memref<!tpu.dma_semaphore, #tpu.memory_space<semaphore_mem>>) src(%dma_wait3A_74 : memref<120xi32, #tpu.memory_space<hbm>>) dst(%arg10 : memref<120xi32, #tpu.memory_space<vmem>>)
          tpu.yield
        }) : () -> ()
        %mul3A_65 = arith.constant 120 : i32
        %mul3A_66 = arith.muli %add3A_61, %mul3A_65 : i32
        %add3A_67 = arith.addi %select_n3A, %mul3A_66 : i32
        "tpu.region"() ({
          %run_scoped3A = tpu.sem_alloc : memref<!tpu.dma_semaphore, #tpu.memory_space<semaphore_mem>>
          %dma_start3A_71 = tpu.memref_slice %arg3[%add3A_67] : memref<322560xi32, #tpu.memory_space<hbm>> -> memref<120xi32, #tpu.memory_space<hbm>>
          %dma_start3A_72 = tpu.memref_slice %arg3[%add3A_67] : memref<322560xi32, #tpu.memory_space<hbm>> -> memref<120xi32, #tpu.memory_space<hbm>>
          tpu.enqueue_dma source(%dma_start3A_72 : memref<120xi32, #tpu.memory_space<hbm>>) target(%arg11 : memref<120xi32, #tpu.memory_space<vmem>>) target_semaphore(%run_scoped3A : memref<!tpu.dma_semaphore, #tpu.memory_space<semaphore_mem>>)
          %dma_wait3A_73 = tpu.memref_slice %arg3[%add3A_67] : memref<322560xi32, #tpu.memory_space<hbm>> -> memref<120xi32, #tpu.memory_space<hbm>>
          %dma_wait3A_74 = tpu.memref_slice %arg3[%add3A_67] : memref<322560xi32, #tpu.memory_space<hbm>> -> memref<120xi32, #tpu.memory_space<hbm>>
          tpu.wait_dma2 semaphore(%run_scoped3A : memref<!tpu.dma_semaphore, #tpu.memory_space<semaphore_mem>>) src(%dma_wait3A_74 : memref<120xi32, #tpu.memory_space<hbm>>) dst(%arg11 : memref<120xi32, #tpu.memory_space<vmem>>)
          tpu.yield
        }) : () -> ()
        %dma_start3A_68 = arith.constant 0 : i32
        %dma_start3A_69 = arith.constant 0 : i32
        %dma_start3A_70 = tpu.memref_slice %arg4[%dma_start3A_68, %dma_start3A_69] : memref<10000x128xf32, #tpu.memory_space<hbm>> -> memref<10000x128xf32, #tpu.memory_space<hbm>>
        tpu.enqueue_indirect_dma source(%dma_start3A_70 : memref<10000x128xf32, #tpu.memory_space<hbm>>) target(%arg12 : memref<120x128xf32, #tpu.memory_space<vmem>>) offsets(%arg10 : memref<120xi32, #tpu.memory_space<vmem>>) semaphore(%arg15 : memref<!tpu.dma_semaphore, #tpu.memory_space<semaphore_mem>>)
      } else {
      }
    }
    %barrier3A_40 = arith.constant 0 : index
    tpu.barrier barrier_id(%barrier3A_40)
    %mul3A_41 = arith.constant 630 : i32
    %mul3A_42 = arith.muli %arg1, %mul3A_41 : i32
    "tpu.region"() ({
      %run_scoped3A = tpu.sem_alloc : memref<!tpu.dma_semaphore, #tpu.memory_space<semaphore_mem>>
      %dma_start3A_43 = arith.constant 0 : i32
      %dma_start3A_44 = arith.constant 0 : i32
      %dma_start3A_45 = tpu.memref_slice %arg6[%arg0, %arg1, %dma_start3A_43, %dma_start3A_44] : memref<2x16x630x128xf32, #tpu.memory_space<hbm>> -> memref<1x1x630x128xf32, #tpu.memory_space<hbm>>
      %dma_start3A_46 = tpu.memref_squeeze %dma_start3A_45 : memref<1x1x630x128xf32, #tpu.memory_space<hbm>> -> memref<630x128xf32, #tpu.memory_space<hbm>>
      %dma_start3A_47 = arith.constant 0 : i32
      %dma_start3A_48 = tpu.memref_slice %arg13[%mul3A_42, %dma_start3A_47] : memref<10080x128xf32, #tpu.memory_space<vmem_shared>> -> memref<630x128xf32, #tpu.memory_space<vmem_shared>>
      tpu.enqueue_dma source(%dma_start3A_48 : memref<630x128xf32, #tpu.memory_space<vmem_shared>>) target(%dma_start3A_46 : memref<630x128xf32, #tpu.memory_space<hbm>>) target_semaphore(%run_scoped3A : memref<!tpu.dma_semaphore, #tpu.memory_space<semaphore_mem>>)
      %dma_wait3A = arith.constant 0 : i32
      %dma_wait3A_49 = arith.constant 0 : i32
      %dma_wait3A_50 = tpu.memref_slice %arg6[%arg0, %arg1, %dma_wait3A, %dma_wait3A_49] : memref<2x16x630x128xf32, #tpu.memory_space<hbm>> -> memref<1x1x630x128xf32, #tpu.memory_space<hbm>>
      %dma_wait3A_51 = tpu.memref_squeeze %dma_wait3A_50 : memref<1x1x630x128xf32, #tpu.memory_space<hbm>> -> memref<630x128xf32, #tpu.memory_space<hbm>>
      %dma_wait3A_52 = arith.constant 0 : i32
      %dma_wait3A_53 = tpu.memref_slice %arg13[%mul3A_42, %dma_wait3A_52] : memref<10080x128xf32, #tpu.memory_space<vmem_shared>> -> memref<630x128xf32, #tpu.memory_space<vmem_shared>>
      tpu.wait_dma2 semaphore(%run_scoped3A : memref<!tpu.dma_semaphore, #tpu.memory_space<semaphore_mem>>) src(%dma_wait3A_53 : memref<630x128xf32, #tpu.memory_space<vmem_shared>>) dst(%dma_wait3A_51 : memref<630x128xf32, #tpu.memory_space<hbm>>)
      tpu.yield
    }) : () -> ()
    return
  }
}

#map = affine_map<(d0, d1) -> (0)>
#map1 = affine_map<(d0, d1) -> (0, 0)>
#map2 = affine_map<(d0, d1) -> (0, 0, 0, 0)>
module attributes {stable_mosaic.version = 14 : i64} {
  func.func @k(%arg0: i32, %arg1: i32, %arg2: memref<322560xi32, #tpu.memory_space<hbm>>, %arg3: memref<322560xi32, #tpu.memory_space<hbm>>, %arg4: memref<10000x128xf32, #tpu.memory_space<hbm>>, %arg5: memref<630x128xf32, #tpu.memory_space<hbm>>, %arg6: memref<2x16x630x128xf32, #tpu.memory_space<hbm>>, %arg7: memref<120xi32, #tpu.memory_space<vmem>>, %arg8: memref<120xi32, #tpu.memory_space<vmem>>, %arg9: memref<120x128xf32, #tpu.memory_space<vmem>>, %arg10: memref<120xi32, #tpu.memory_space<vmem>>, %arg11: memref<120xi32, #tpu.memory_space<vmem>>, %arg12: memref<120x128xf32, #tpu.memory_space<vmem>>, %arg13: memref<10080x128xf32, #tpu.memory_space<vmem_shared>>, %arg14: memref<!tpu.dma_semaphore, #tpu.memory_space<semaphore_mem>>, %arg15: memref<!tpu.dma_semaphore, #tpu.memory_space<semaphore_mem>>) attributes {dimension_semantics = [#tpu.dimension_semantics<core_parallel>, #tpu.dimension_semantics<subcore_parallel>], iteration_bounds = array<i64: 2, 16>, scalar_prefetch = 0 : i64, scratch_operands = 9 : i64, tpu.core_type = #tpu.core_type<sc_vector_subcore>, window_params = [{transform_indices = #map}, {transform_indices = #map}, {transform_indices = #map1}, {transform_indices = #map1}, {transform_indices = #map2}]} {
    %mul3A = arith.constant 630 : i32
    %mul3A_0 = arith.muli %arg1, %mul3A : i32
    "tpu.region"() ({
      %run_scoped3A = tpu.sem_alloc : memref<!tpu.dma_semaphore, #tpu.memory_space<semaphore_mem>>
      %dma_start3A_43 = arith.constant 0 : i32
      %dma_start3A_44 = tpu.memref_slice %arg13[%mul3A_0, %dma_start3A_43] : memref<10080x128xf32, #tpu.memory_space<vmem_shared>> -> memref<630x128xf32, #tpu.memory_space<vmem_shared>>
      tpu.enqueue_dma source(%arg5 : memref<630x128xf32, #tpu.memory_space<hbm>>) target(%dma_start3A_44 : memref<630x128xf32, #tpu.memory_space<vmem_shared>>) target_semaphore(%run_scoped3A : memref<!tpu.dma_semaphore, #tpu.memory_space<semaphore_mem>>)
      %dma_wait3A = arith.constant 0 : i32
      %dma_wait3A_45 = tpu.memref_slice %arg13[%mul3A_0, %dma_wait3A] : memref<10080x128xf32, #tpu.memory_space<vmem_shared>> -> memref<630x128xf32, #tpu.memory_space<vmem_shared>>
      tpu.wait_dma2 semaphore(%run_scoped3A : memref<!tpu.dma_semaphore, #tpu.memory_space<semaphore_mem>>) src(%arg5 : memref<630x128xf32, #tpu.memory_space<hbm>>) dst(%dma_wait3A_45 : memref<630x128xf32, #tpu.memory_space<vmem_shared>>)
      tpu.yield
    }) : () -> ()
    %barrier3A = arith.constant 0 : index
    tpu.barrier barrier_id(%barrier3A)
    %eq3A = arith.constant 0 : i32
    %eq3A_1 = arith.cmpi eq, %arg0, %eq3A : i32
    %mul3A_2 = arith.constant 13920 : i32
    %mul3A_3 = arith.muli %arg1, %mul3A_2 : i32
    %mul3A_4 = arith.constant 6240 : i32
    %mul3A_5 = arith.muli %arg1, %mul3A_4 : i32
    %add3A = arith.constant 222720 : i32
    %add3A_6 = arith.addi %add3A, %mul3A_5 : i32
    %select_n3A = arith.select %eq3A_1, %mul3A_3, %add3A_6 : i32
    %eq3A_7 = arith.constant 0 : i32
    %eq3A_8 = arith.cmpi eq, %arg0, %eq3A_7 : i32
    %jit3A = arith.constant 116 : i32
    %jit3A_9 = arith.constant 52 : i32
    %select_n3A_10 = arith.select %eq3A_8, %jit3A, %jit3A_9 : i32
    %add3A_11 = arith.constant 0 : i32
    %add3A_12 = arith.addi %select_n3A, %add3A_11 : i32
    "tpu.region"() ({
      %run_scoped3A = tpu.sem_alloc : memref<!tpu.dma_semaphore, #tpu.memory_space<semaphore_mem>>
      %dma_start3A_43 = tpu.memref_slice %arg2[%add3A_12] : memref<322560xi32, #tpu.memory_space<hbm>> -> memref<120xi32, #tpu.memory_space<hbm>>
      %dma_start3A_44 = tpu.memref_slice %arg2[%add3A_12] : memref<322560xi32, #tpu.memory_space<hbm>> -> memref<120xi32, #tpu.memory_space<hbm>>
      tpu.enqueue_dma source(%dma_start3A_44 : memref<120xi32, #tpu.memory_space<hbm>>) target(%arg7 : memref<120xi32, #tpu.memory_space<vmem>>) target_semaphore(%run_scoped3A : memref<!tpu.dma_semaphore, #tpu.memory_space<semaphore_mem>>)
      %dma_wait3A = tpu.memref_slice %arg2[%add3A_12] : memref<322560xi32, #tpu.memory_space<hbm>> -> memref<120xi32, #tpu.memory_space<hbm>>
      %dma_wait3A_45 = tpu.memref_slice %arg2[%add3A_12] : memref<322560xi32, #tpu.memory_space<hbm>> -> memref<120xi32, #tpu.memory_space<hbm>>
      tpu.wait_dma2 semaphore(%run_scoped3A : memref<!tpu.dma_semaphore, #tpu.memory_space<semaphore_mem>>) src(%dma_wait3A_45 : memref<120xi32, #tpu.memory_space<hbm>>) dst(%arg7 : memref<120xi32, #tpu.memory_space<vmem>>)
      tpu.yield
    }) : () -> ()
    %add3A_13 = arith.constant 0 : i32
    %add3A_14 = arith.addi %select_n3A, %add3A_13 : i32
    "tpu.region"() ({
      %run_scoped3A = tpu.sem_alloc : memref<!tpu.dma_semaphore, #tpu.memory_space<semaphore_mem>>
      %dma_start3A_43 = tpu.memref_slice %arg3[%add3A_14] : memref<322560xi32, #tpu.memory_space<hbm>> -> memref<120xi32, #tpu.memory_space<hbm>>
      %dma_start3A_44 = tpu.memref_slice %arg3[%add3A_14] : memref<322560xi32, #tpu.memory_space<hbm>> -> memref<120xi32, #tpu.memory_space<hbm>>
      tpu.enqueue_dma source(%dma_start3A_44 : memref<120xi32, #tpu.memory_space<hbm>>) target(%arg8 : memref<120xi32, #tpu.memory_space<vmem>>) target_semaphore(%run_scoped3A : memref<!tpu.dma_semaphore, #tpu.memory_space<semaphore_mem>>)
      %dma_wait3A = tpu.memref_slice %arg3[%add3A_14] : memref<322560xi32, #tpu.memory_space<hbm>> -> memref<120xi32, #tpu.memory_space<hbm>>
      %dma_wait3A_45 = tpu.memref_slice %arg3[%add3A_14] : memref<322560xi32, #tpu.memory_space<hbm>> -> memref<120xi32, #tpu.memory_space<hbm>>
      tpu.wait_dma2 semaphore(%run_scoped3A : memref<!tpu.dma_semaphore, #tpu.memory_space<semaphore_mem>>) src(%dma_wait3A_45 : memref<120xi32, #tpu.memory_space<hbm>>) dst(%arg8 : memref<120xi32, #tpu.memory_space<vmem>>)
      tpu.yield
    }) : () -> ()
    %dma_start3A = arith.constant 0 : i32
    %dma_start3A_15 = arith.constant 0 : i32
    %dma_start3A_16 = tpu.memref_slice %arg4[%dma_start3A, %dma_start3A_15] : memref<10000x128xf32, #tpu.memory_space<hbm>> -> memref<10000x128xf32, #tpu.memory_space<hbm>>
    tpu.enqueue_indirect_dma source(%dma_start3A_16 : memref<10000x128xf32, #tpu.memory_space<hbm>>) target(%arg9 : memref<120x128xf32, #tpu.memory_space<vmem>>) offsets(%arg7 : memref<120xi32, #tpu.memory_space<vmem>>) semaphore(%arg14 : memref<!tpu.dma_semaphore, #tpu.memory_space<semaphore_mem>>)
    %add3A_17 = arith.constant 120 : i32
    %add3A_18 = arith.addi %select_n3A, %add3A_17 : i32
    "tpu.region"() ({
      %run_scoped3A = tpu.sem_alloc : memref<!tpu.dma_semaphore, #tpu.memory_space<semaphore_mem>>
      %dma_start3A_43 = tpu.memref_slice %arg2[%add3A_18] : memref<322560xi32, #tpu.memory_space<hbm>> -> memref<120xi32, #tpu.memory_space<hbm>>
      %dma_start3A_44 = tpu.memref_slice %arg2[%add3A_18] : memref<322560xi32, #tpu.memory_space<hbm>> -> memref<120xi32, #tpu.memory_space<hbm>>
      tpu.enqueue_dma source(%dma_start3A_44 : memref<120xi32, #tpu.memory_space<hbm>>) target(%arg10 : memref<120xi32, #tpu.memory_space<vmem>>) target_semaphore(%run_scoped3A : memref<!tpu.dma_semaphore, #tpu.memory_space<semaphore_mem>>)
      %dma_wait3A = tpu.memref_slice %arg2[%add3A_18] : memref<322560xi32, #tpu.memory_space<hbm>> -> memref<120xi32, #tpu.memory_space<hbm>>
      %dma_wait3A_45 = tpu.memref_slice %arg2[%add3A_18] : memref<322560xi32, #tpu.memory_space<hbm>> -> memref<120xi32, #tpu.memory_space<hbm>>
      tpu.wait_dma2 semaphore(%run_scoped3A : memref<!tpu.dma_semaphore, #tpu.memory_space<semaphore_mem>>) src(%dma_wait3A_45 : memref<120xi32, #tpu.memory_space<hbm>>) dst(%arg10 : memref<120xi32, #tpu.memory_space<vmem>>)
      tpu.yield
    }) : () -> ()
    %add3A_19 = arith.constant 120 : i32
    %add3A_20 = arith.addi %select_n3A, %add3A_19 : i32
    "tpu.region"() ({
      %run_scoped3A = tpu.sem_alloc : memref<!tpu.dma_semaphore, #tpu.memory_space<semaphore_mem>>
      %dma_start3A_43 = tpu.memref_slice %arg3[%add3A_20] : memref<322560xi32, #tpu.memory_space<hbm>> -> memref<120xi32, #tpu.memory_space<hbm>>
      %dma_start3A_44 = tpu.memref_slice %arg3[%add3A_20] : memref<322560xi32, #tpu.memory_space<hbm>> -> memref<120xi32, #tpu.memory_space<hbm>>
      tpu.enqueue_dma source(%dma_start3A_44 : memref<120xi32, #tpu.memory_space<hbm>>) target(%arg11 : memref<120xi32, #tpu.memory_space<vmem>>) target_semaphore(%run_scoped3A : memref<!tpu.dma_semaphore, #tpu.memory_space<semaphore_mem>>)
      %dma_wait3A = tpu.memref_slice %arg3[%add3A_20] : memref<322560xi32, #tpu.memory_space<hbm>> -> memref<120xi32, #tpu.memory_space<hbm>>
      %dma_wait3A_45 = tpu.memref_slice %arg3[%add3A_20] : memref<322560xi32, #tpu.memory_space<hbm>> -> memref<120xi32, #tpu.memory_space<hbm>>
      tpu.wait_dma2 semaphore(%run_scoped3A : memref<!tpu.dma_semaphore, #tpu.memory_space<semaphore_mem>>) src(%dma_wait3A_45 : memref<120xi32, #tpu.memory_space<hbm>>) dst(%arg11 : memref<120xi32, #tpu.memory_space<vmem>>)
      tpu.yield
    }) : () -> ()
    %dma_start3A_21 = arith.constant 0 : i32
    %dma_start3A_22 = arith.constant 0 : i32
    %dma_start3A_23 = tpu.memref_slice %arg4[%dma_start3A_21, %dma_start3A_22] : memref<10000x128xf32, #tpu.memory_space<hbm>> -> memref<10000x128xf32, #tpu.memory_space<hbm>>
    tpu.enqueue_indirect_dma source(%dma_start3A_23 : memref<10000x128xf32, #tpu.memory_space<hbm>>) target(%arg12 : memref<120x128xf32, #tpu.memory_space<vmem>>) offsets(%arg10 : memref<120xi32, #tpu.memory_space<vmem>>) semaphore(%arg15 : memref<!tpu.dma_semaphore, #tpu.memory_space<semaphore_mem>>)
    %sub3A = arith.constant 0 : i32
    %sub3A_24 = arith.subi %select_n3A_10, %sub3A : i32
    %sub3A_25 = arith.constant 2 : i32
    %sub3A_26 = arith.constant 1 : i32
    %sub3A_27 = arith.subi %sub3A_25, %sub3A_26 : i32
    %add3A_28 = arith.addi %sub3A_24, %sub3A_27 : i32
    %div3A = arith.constant 2 : i32
    %div3A_29 = arith.divsi %add3A_28, %div3A : i32
    %while3A = arith.constant 2 : i32
    %while3A_30 = arith.constant 0 : i32
    %while3A_31 = arith.constant 0 : i32
    %while3A_32 = arith.subi %div3A_29, %while3A_31 : i32
    %while3A_33 = arith.addi %while3A_31, %while3A_32 : i32
    %while3A_34 = arith.constant 1 : i32
    %while3A_35 = arith.divsi %while3A_32, %while3A_34 : i32
    %while3A_36 = arith.muli %while3A_35, %while3A_34 : i32
    %while3A_37 = arith.addi %while3A_31, %while3A_36 : i32
    %while3A_38 = arith.constant 1 : i32
    scf.for %while3A_43 = %while3A_31 to %while3A_37 step %while3A_38  : i32 {
      %mul3A_44 = arith.muli %while3A_43, %while3A : i32
      %add3A_45 = arith.addi %while3A_30, %mul3A_44 : i32
      %dma_wait3A = arith.constant 0 : i32
      %dma_wait3A_46 = arith.constant 0 : i32
      %dma_wait3A_47 = tpu.memref_slice %arg4[%dma_wait3A, %dma_wait3A_46] : memref<10000x128xf32, #tpu.memory_space<hbm>> -> memref<10000x128xf32, #tpu.memory_space<hbm>>
      tpu.wait_indirect_dma semaphore(%arg14 : memref<!tpu.dma_semaphore, #tpu.memory_space<semaphore_mem>>) src(%dma_wait3A_47 : memref<10000x128xf32, #tpu.memory_space<hbm>>) dst(%arg9 : memref<120x128xf32, #tpu.memory_space<vmem>>)
      "tpu.region"() ({
        %run_scoped3A = tpu.sem_alloc : memref<!tpu.dma_semaphore, #tpu.memory_space<semaphore_mem>>
        %dma_start3A_60 = arith.constant 0 : i32
        %dma_start3A_61 = arith.constant 0 : i32
        %dma_start3A_62 = tpu.memref_slice %arg13[%dma_start3A_60, %dma_start3A_61] : memref<10080x128xf32, #tpu.memory_space<vmem_shared>> -> memref<10080x128xf32, #tpu.memory_space<vmem_shared>>
        tpu.enqueue_indirect_dma source(%arg9 : memref<120x128xf32, #tpu.memory_space<vmem>>) target(%dma_start3A_62 : memref<10080x128xf32, #tpu.memory_space<vmem_shared>>) offsets(%arg8 : memref<120xi32, #tpu.memory_space<vmem>>) semaphore(%run_scoped3A : memref<!tpu.dma_semaphore, #tpu.memory_space<semaphore_mem>>) {add = true}
        %dma_wait3A_63 = arith.constant 0 : i32
        %dma_wait3A_64 = arith.constant 0 : i32
        %dma_wait3A_65 = tpu.memref_slice %arg13[%dma_wait3A_63, %dma_wait3A_64] : memref<10080x128xf32, #tpu.memory_space<vmem_shared>> -> memref<10080x128xf32, #tpu.memory_space<vmem_shared>>
        tpu.wait_indirect_dma semaphore(%run_scoped3A : memref<!tpu.dma_semaphore, #tpu.memory_space<semaphore_mem>>) src(%arg9 : memref<120x128xf32, #tpu.memory_space<vmem>>) dst(%dma_wait3A_65 : memref<10080x128xf32, #tpu.memory_space<vmem_shared>>)
        tpu.yield
      }) : () -> ()
      %add3A_48 = arith.constant 2 : i32
      %add3A_49 = arith.addi %add3A_45, %add3A_48 : i32
      %lt3A = arith.cmpi slt, %add3A_49, %select_n3A_10 : i32
      %convert_element_type3A = arith.extui %lt3A : i1 to i32
      %cond3A = arith.constant 0 : i32
      %cond3A_50 = arith.cmpi ne, %convert_element_type3A, %cond3A : i32
      scf.if %cond3A_50 {
        %add3A_60 = arith.constant 2 : i32
        %add3A_61 = arith.addi %add3A_45, %add3A_60 : i32
        %mul3A_62 = arith.constant 120 : i32
        %mul3A_63 = arith.muli %add3A_61, %mul3A_62 : i32
        %add3A_64 = arith.addi %select_n3A, %mul3A_63 : i32
        "tpu.region"() ({
          %run_scoped3A = tpu.sem_alloc : memref<!tpu.dma_semaphore, #tpu.memory_space<semaphore_mem>>
          %dma_start3A_71 = tpu.memref_slice %arg2[%add3A_64] : memref<322560xi32, #tpu.memory_space<hbm>> -> memref<120xi32, #tpu.memory_space<hbm>>
          %dma_start3A_72 = tpu.memref_slice %arg2[%add3A_64] : memref<322560xi32, #tpu.memory_space<hbm>> -> memref<120xi32, #tpu.memory_space<hbm>>
          tpu.enqueue_dma source(%dma_start3A_72 : memref<120xi32, #tpu.memory_space<hbm>>) target(%arg7 : memref<120xi32, #tpu.memory_space<vmem>>) target_semaphore(%run_scoped3A : memref<!tpu.dma_semaphore, #tpu.memory_space<semaphore_mem>>)
          %dma_wait3A_73 = tpu.memref_slice %arg2[%add3A_64] : memref<322560xi32, #tpu.memory_space<hbm>> -> memref<120xi32, #tpu.memory_space<hbm>>
          %dma_wait3A_74 = tpu.memref_slice %arg2[%add3A_64] : memref<322560xi32, #tpu.memory_space<hbm>> -> memref<120xi32, #tpu.memory_space<hbm>>
          tpu.wait_dma2 semaphore(%run_scoped3A : memref<!tpu.dma_semaphore, #tpu.memory_space<semaphore_mem>>) src(%dma_wait3A_74 : memref<120xi32, #tpu.memory_space<hbm>>) dst(%arg7 : memref<120xi32, #tpu.memory_space<vmem>>)
          tpu.yield
        }) : () -> ()
        %mul3A_65 = arith.constant 120 : i32
        %mul3A_66 = arith.muli %add3A_61, %mul3A_65 : i32
        %add3A_67 = arith.addi %select_n3A, %mul3A_66 : i32
        "tpu.region"() ({
          %run_scoped3A = tpu.sem_alloc : memref<!tpu.dma_semaphore, #tpu.memory_space<semaphore_mem>>
          %dma_start3A_71 = tpu.memref_slice %arg3[%add3A_67] : memref<322560xi32, #tpu.memory_space<hbm>> -> memref<120xi32, #tpu.memory_space<hbm>>
          %dma_start3A_72 = tpu.memref_slice %arg3[%add3A_67] : memref<322560xi32, #tpu.memory_space<hbm>> -> memref<120xi32, #tpu.memory_space<hbm>>
          tpu.enqueue_dma source(%dma_start3A_72 : memref<120xi32, #tpu.memory_space<hbm>>) target(%arg8 : memref<120xi32, #tpu.memory_space<vmem>>) target_semaphore(%run_scoped3A : memref<!tpu.dma_semaphore, #tpu.memory_space<semaphore_mem>>)
          %dma_wait3A_73 = tpu.memref_slice %arg3[%add3A_67] : memref<322560xi32, #tpu.memory_space<hbm>> -> memref<120xi32, #tpu.memory_space<hbm>>
          %dma_wait3A_74 = tpu.memref_slice %arg3[%add3A_67] : memref<322560xi32, #tpu.memory_space<hbm>> -> memref<120xi32, #tpu.memory_space<hbm>>
          tpu.wait_dma2 semaphore(%run_scoped3A : memref<!tpu.dma_semaphore, #tpu.memory_space<semaphore_mem>>) src(%dma_wait3A_74 : memref<120xi32, #tpu.memory_space<hbm>>) dst(%arg8 : memref<120xi32, #tpu.memory_space<vmem>>)
          tpu.yield
        }) : () -> ()
        %dma_start3A_68 = arith.constant 0 : i32
        %dma_start3A_69 = arith.constant 0 : i32
        %dma_start3A_70 = tpu.memref_slice %arg4[%dma_start3A_68, %dma_start3A_69] : memref<10000x128xf32, #tpu.memory_space<hbm>> -> memref<10000x128xf32, #tpu.memory_space<hbm>>
        tpu.enqueue_indirect_dma source(%dma_start3A_70 : memref<10000x128xf32, #tpu.memory_space<hbm>>) target(%arg9 : memref<120x128xf32, #tpu.memory_space<vmem>>) offsets(%arg7 : memref<120xi32, #tpu.memory_space<vmem>>) semaphore(%arg14 : memref<!tpu.dma_semaphore, #tpu.memory_space<semaphore_mem>>)
      } else {
      }
      %dma_wait3A_51 = arith.constant 0 : i32
      %dma_wait3A_52 = arith.constant 0 : i32
      %dma_wait3A_53 = tpu.memref_slice %arg4[%dma_wait3A_51, %dma_wait3A_52] : memref<10000x128xf32, #tpu.memory_space<hbm>> -> memref<10000x128xf32, #tpu.memory_space<hbm>>
      tpu.wait_indirect_dma semaphore(%arg15 : memref<!tpu.dma_semaphore, #tpu.memory_space<semaphore_mem>>) src(%dma_wait3A_53 : memref<10000x128xf32, #tpu.memory_space<hbm>>) dst(%arg12 : memref<120x128xf32, #tpu.memory_space<vmem>>)
      "tpu.region"() ({
        %run_scoped3A = tpu.sem_alloc : memref<!tpu.dma_semaphore, #tpu.memory_space<semaphore_mem>>
        %dma_start3A_60 = arith.constant 0 : i32
        %dma_start3A_61 = arith.constant 0 : i32
        %dma_start3A_62 = tpu.memref_slice %arg13[%dma_start3A_60, %dma_start3A_61] : memref<10080x128xf32, #tpu.memory_space<vmem_shared>> -> memref<10080x128xf32, #tpu.memory_space<vmem_shared>>
        tpu.enqueue_indirect_dma source(%arg12 : memref<120x128xf32, #tpu.memory_space<vmem>>) target(%dma_start3A_62 : memref<10080x128xf32, #tpu.memory_space<vmem_shared>>) offsets(%arg11 : memref<120xi32, #tpu.memory_space<vmem>>) semaphore(%run_scoped3A : memref<!tpu.dma_semaphore, #tpu.memory_space<semaphore_mem>>) {add = true}
        %dma_wait3A_63 = arith.constant 0 : i32
        %dma_wait3A_64 = arith.constant 0 : i32
        %dma_wait3A_65 = tpu.memref_slice %arg13[%dma_wait3A_63, %dma_wait3A_64] : memref<10080x128xf32, #tpu.memory_space<vmem_shared>> -> memref<10080x128xf32, #tpu.memory_space<vmem_shared>>
        tpu.wait_indirect_dma semaphore(%run_scoped3A : memref<!tpu.dma_semaphore, #tpu.memory_space<semaphore_mem>>) src(%arg12 : memref<120x128xf32, #tpu.memory_space<vmem>>) dst(%dma_wait3A_65 : memref<10080x128xf32, #tpu.memory_space<vmem_shared>>)
        tpu.yield
      }) : () -> ()
      %add3A_54 = arith.constant 3 : i32
      %add3A_55 = arith.addi %add3A_45, %add3A_54 : i32
      %lt3A_56 = arith.cmpi slt, %add3A_55, %select_n3A_10 : i32
      %convert_element_type3A_57 = arith.extui %lt3A_56 : i1 to i32
      %cond3A_58 = arith.constant 0 : i32
      %cond3A_59 = arith.cmpi ne, %convert_element_type3A_57, %cond3A_58 : i32
      scf.if %cond3A_59 {
        %add3A_60 = arith.constant 3 : i32
        %add3A_61 = arith.addi %add3A_45, %add3A_60 : i32
        %mul3A_62 = arith.constant 120 : i32
        %mul3A_63 = arith.muli %add3A_61, %mul3A_62 : i32
        %add3A_64 = arith.addi %select_n3A, %mul3A_63 : i32
        "tpu.region"() ({
          %run_scoped3A = tpu.sem_alloc : memref<!tpu.dma_semaphore, #tpu.memory_space<semaphore_mem>>
          %dma_start3A_71 = tpu.memref_slice %arg2[%add3A_64] : memref<322560xi32, #tpu.memory_space<hbm>> -> memref<120xi32, #tpu.memory_space<hbm>>
          %dma_start3A_72 = tpu.memref_slice %arg2[%add3A_64] : memref<322560xi32, #tpu.memory_space<hbm>> -> memref<120xi32, #tpu.memory_space<hbm>>
          tpu.enqueue_dma source(%dma_start3A_72 : memref<120xi32, #tpu.memory_space<hbm>>) target(%arg10 : memref<120xi32, #tpu.memory_space<vmem>>) target_semaphore(%run_scoped3A : memref<!tpu.dma_semaphore, #tpu.memory_space<semaphore_mem>>)
          %dma_wait3A_73 = tpu.memref_slice %arg2[%add3A_64] : memref<322560xi32, #tpu.memory_space<hbm>> -> memref<120xi32, #tpu.memory_space<hbm>>
          %dma_wait3A_74 = tpu.memref_slice %arg2[%add3A_64] : memref<322560xi32, #tpu.memory_space<hbm>> -> memref<120xi32, #tpu.memory_space<hbm>>
          tpu.wait_dma2 semaphore(%run_scoped3A : memref<!tpu.dma_semaphore, #tpu.memory_space<semaphore_mem>>) src(%dma_wait3A_74 : memref<120xi32, #tpu.memory_space<hbm>>) dst(%arg10 : memref<120xi32, #tpu.memory_space<vmem>>)
          tpu.yield
        }) : () -> ()
        %mul3A_65 = arith.constant 120 : i32
        %mul3A_66 = arith.muli %add3A_61, %mul3A_65 : i32
        %add3A_67 = arith.addi %select_n3A, %mul3A_66 : i32
        "tpu.region"() ({
          %run_scoped3A = tpu.sem_alloc : memref<!tpu.dma_semaphore, #tpu.memory_space<semaphore_mem>>
          %dma_start3A_71 = tpu.memref_slice %arg3[%add3A_67] : memref<322560xi32, #tpu.memory_space<hbm>> -> memref<120xi32, #tpu.memory_space<hbm>>
          %dma_start3A_72 = tpu.memref_slice %arg3[%add3A_67] : memref<322560xi32, #tpu.memory_space<hbm>> -> memref<120xi32, #tpu.memory_space<hbm>>
          tpu.enqueue_dma source(%dma_start3A_72 : memref<120xi32, #tpu.memory_space<hbm>>) target(%arg11 : memref<120xi32, #tpu.memory_space<vmem>>) target_semaphore(%run_scoped3A : memref<!tpu.dma_semaphore, #tpu.memory_space<semaphore_mem>>)
          %dma_wait3A_73 = tpu.memref_slice %arg3[%add3A_67] : memref<322560xi32, #tpu.memory_space<hbm>> -> memref<120xi32, #tpu.memory_space<hbm>>
          %dma_wait3A_74 = tpu.memref_slice %arg3[%add3A_67] : memref<322560xi32, #tpu.memory_space<hbm>> -> memref<120xi32, #tpu.memory_space<hbm>>
          tpu.wait_dma2 semaphore(%run_scoped3A : memref<!tpu.dma_semaphore, #tpu.memory_space<semaphore_mem>>) src(%dma_wait3A_74 : memref<120xi32, #tpu.memory_space<hbm>>) dst(%arg11 : memref<120xi32, #tpu.memory_space<vmem>>)
          tpu.yield
        }) : () -> ()
        %dma_start3A_68 = arith.constant 0 : i32
        %dma_start3A_69 = arith.constant 0 : i32
        %dma_start3A_70 = tpu.memref_slice %arg4[%dma_start3A_68, %dma_start3A_69] : memref<10000x128xf32, #tpu.memory_space<hbm>> -> memref<10000x128xf32, #tpu.memory_space<hbm>>
        tpu.enqueue_indirect_dma source(%dma_start3A_70 : memref<10000x128xf32, #tpu.memory_space<hbm>>) target(%arg12 : memref<120x128xf32, #tpu.memory_space<vmem>>) offsets(%arg10 : memref<120xi32, #tpu.memory_space<vmem>>) semaphore(%arg15 : memref<!tpu.dma_semaphore, #tpu.memory_space<semaphore_mem>>)
      } else {
      }
    }
    %while3A_39 = arith.constant 1 : i32
    scf.for %while3A_43 = %while3A_37 to %while3A_33 step %while3A_39  : i32 {
      %mul3A_44 = arith.muli %while3A_43, %while3A : i32
      %add3A_45 = arith.addi %while3A_30, %mul3A_44 : i32
      %dma_wait3A = arith.constant 0 : i32
      %dma_wait3A_46 = arith.constant 0 : i32
      %dma_wait3A_47 = tpu.memref_slice %arg4[%dma_wait3A, %dma_wait3A_46] : memref<10000x128xf32, #tpu.memory_space<hbm>> -> memref<10000x128xf32, #tpu.memory_space<hbm>>
      tpu.wait_indirect_dma semaphore(%arg14 : memref<!tpu.dma_semaphore, #tpu.memory_space<semaphore_mem>>) src(%dma_wait3A_47 : memref<10000x128xf32, #tpu.memory_space<hbm>>) dst(%arg9 : memref<120x128xf32, #tpu.memory_space<vmem>>)
      "tpu.region"() ({
        %run_scoped3A = tpu.sem_alloc : memref<!tpu.dma_semaphore, #tpu.memory_space<semaphore_mem>>
        %dma_start3A_60 = arith.constant 0 : i32
        %dma_start3A_61 = arith.constant 0 : i32
        %dma_start3A_62 = tpu.memref_slice %arg13[%dma_start3A_60, %dma_start3A_61] : memref<10080x128xf32, #tpu.memory_space<vmem_shared>> -> memref<10080x128xf32, #tpu.memory_space<vmem_shared>>
        tpu.enqueue_indirect_dma source(%arg9 : memref<120x128xf32, #tpu.memory_space<vmem>>) target(%dma_start3A_62 : memref<10080x128xf32, #tpu.memory_space<vmem_shared>>) offsets(%arg8 : memref<120xi32, #tpu.memory_space<vmem>>) semaphore(%run_scoped3A : memref<!tpu.dma_semaphore, #tpu.memory_space<semaphore_mem>>) {add = true}
        %dma_wait3A_63 = arith.constant 0 : i32
        %dma_wait3A_64 = arith.constant 0 : i32
        %dma_wait3A_65 = tpu.memref_slice %arg13[%dma_wait3A_63, %dma_wait3A_64] : memref<10080x128xf32, #tpu.memory_space<vmem_shared>> -> memref<10080x128xf32, #tpu.memory_space<vmem_shared>>
        tpu.wait_indirect_dma semaphore(%run_scoped3A : memref<!tpu.dma_semaphore, #tpu.memory_space<semaphore_mem>>) src(%arg9 : memref<120x128xf32, #tpu.memory_space<vmem>>) dst(%dma_wait3A_65 : memref<10080x128xf32, #tpu.memory_space<vmem_shared>>)
        tpu.yield
      }) : () -> ()
      %add3A_48 = arith.constant 2 : i32
      %add3A_49 = arith.addi %add3A_45, %add3A_48 : i32
      %lt3A = arith.cmpi slt, %add3A_49, %select_n3A_10 : i32
      %convert_element_type3A = arith.extui %lt3A : i1 to i32
      %cond3A = arith.constant 0 : i32
      %cond3A_50 = arith.cmpi ne, %convert_element_type3A, %cond3A : i32
      scf.if %cond3A_50 {
        %add3A_60 = arith.constant 2 : i32
        %add3A_61 = arith.addi %add3A_45, %add3A_60 : i32
        %mul3A_62 = arith.constant 120 : i32
        %mul3A_63 = arith.muli %add3A_61, %mul3A_62 : i32
        %add3A_64 = arith.addi %select_n3A, %mul3A_63 : i32
        "tpu.region"() ({
          %run_scoped3A = tpu.sem_alloc : memref<!tpu.dma_semaphore, #tpu.memory_space<semaphore_mem>>
          %dma_start3A_71 = tpu.memref_slice %arg2[%add3A_64] : memref<322560xi32, #tpu.memory_space<hbm>> -> memref<120xi32, #tpu.memory_space<hbm>>
          %dma_start3A_72 = tpu.memref_slice %arg2[%add3A_64] : memref<322560xi32, #tpu.memory_space<hbm>> -> memref<120xi32, #tpu.memory_space<hbm>>
          tpu.enqueue_dma source(%dma_start3A_72 : memref<120xi32, #tpu.memory_space<hbm>>) target(%arg7 : memref<120xi32, #tpu.memory_space<vmem>>) target_semaphore(%run_scoped3A : memref<!tpu.dma_semaphore, #tpu.memory_space<semaphore_mem>>)
          %dma_wait3A_73 = tpu.memref_slice %arg2[%add3A_64] : memref<322560xi32, #tpu.memory_space<hbm>> -> memref<120xi32, #tpu.memory_space<hbm>>
          %dma_wait3A_74 = tpu.memref_slice %arg2[%add3A_64] : memref<322560xi32, #tpu.memory_space<hbm>> -> memref<120xi32, #tpu.memory_space<hbm>>
          tpu.wait_dma2 semaphore(%run_scoped3A : memref<!tpu.dma_semaphore, #tpu.memory_space<semaphore_mem>>) src(%dma_wait3A_74 : memref<120xi32, #tpu.memory_space<hbm>>) dst(%arg7 : memref<120xi32, #tpu.memory_space<vmem>>)
          tpu.yield
        }) : () -> ()
        %mul3A_65 = arith.constant 120 : i32
        %mul3A_66 = arith.muli %add3A_61, %mul3A_65 : i32
        %add3A_67 = arith.addi %select_n3A, %mul3A_66 : i32
        "tpu.region"() ({
          %run_scoped3A = tpu.sem_alloc : memref<!tpu.dma_semaphore, #tpu.memory_space<semaphore_mem>>
          %dma_start3A_71 = tpu.memref_slice %arg3[%add3A_67] : memref<322560xi32, #tpu.memory_space<hbm>> -> memref<120xi32, #tpu.memory_space<hbm>>
          %dma_start3A_72 = tpu.memref_slice %arg3[%add3A_67] : memref<322560xi32, #tpu.memory_space<hbm>> -> memref<120xi32, #tpu.memory_space<hbm>>
          tpu.enqueue_dma source(%dma_start3A_72 : memref<120xi32, #tpu.memory_space<hbm>>) target(%arg8 : memref<120xi32, #tpu.memory_space<vmem>>) target_semaphore(%run_scoped3A : memref<!tpu.dma_semaphore, #tpu.memory_space<semaphore_mem>>)
          %dma_wait3A_73 = tpu.memref_slice %arg3[%add3A_67] : memref<322560xi32, #tpu.memory_space<hbm>> -> memref<120xi32, #tpu.memory_space<hbm>>
          %dma_wait3A_74 = tpu.memref_slice %arg3[%add3A_67] : memref<322560xi32, #tpu.memory_space<hbm>> -> memref<120xi32, #tpu.memory_space<hbm>>
          tpu.wait_dma2 semaphore(%run_scoped3A : memref<!tpu.dma_semaphore, #tpu.memory_space<semaphore_mem>>) src(%dma_wait3A_74 : memref<120xi32, #tpu.memory_space<hbm>>) dst(%arg8 : memref<120xi32, #tpu.memory_space<vmem>>)
          tpu.yield
        }) : () -> ()
        %dma_start3A_68 = arith.constant 0 : i32
        %dma_start3A_69 = arith.constant 0 : i32
        %dma_start3A_70 = tpu.memref_slice %arg4[%dma_start3A_68, %dma_start3A_69] : memref<10000x128xf32, #tpu.memory_space<hbm>> -> memref<10000x128xf32, #tpu.memory_space<hbm>>
        tpu.enqueue_indirect_dma source(%dma_start3A_70 : memref<10000x128xf32, #tpu.memory_space<hbm>>) target(%arg9 : memref<120x128xf32, #tpu.memory_space<vmem>>) offsets(%arg7 : memref<120xi32, #tpu.memory_space<vmem>>) semaphore(%arg14 : memref<!tpu.dma_semaphore, #tpu.memory_space<semaphore_mem>>)
      } else {
      }
      %dma_wait3A_51 = arith.constant 0 : i32
      %dma_wait3A_52 = arith.constant 0 : i32
      %dma_wait3A_53 = tpu.memref_slice %arg4[%dma_wait3A_51, %dma_wait3A_52] : memref<10000x128xf32, #tpu.memory_space<hbm>> -> memref<10000x128xf32, #tpu.memory_space<hbm>>
      tpu.wait_indirect_dma semaphore(%arg15 : memref<!tpu.dma_semaphore, #tpu.memory_space<semaphore_mem>>) src(%dma_wait3A_53 : memref<10000x128xf32, #tpu.memory_space<hbm>>) dst(%arg12 : memref<120x128xf32, #tpu.memory_space<vmem>>)
      "tpu.region"() ({
        %run_scoped3A = tpu.sem_alloc : memref<!tpu.dma_semaphore, #tpu.memory_space<semaphore_mem>>
        %dma_start3A_60 = arith.constant 0 : i32
        %dma_start3A_61 = arith.constant 0 : i32
        %dma_start3A_62 = tpu.memref_slice %arg13[%dma_start3A_60, %dma_start3A_61] : memref<10080x128xf32, #tpu.memory_space<vmem_shared>> -> memref<10080x128xf32, #tpu.memory_space<vmem_shared>>
        tpu.enqueue_indirect_dma source(%arg12 : memref<120x128xf32, #tpu.memory_space<vmem>>) target(%dma_start3A_62 : memref<10080x128xf32, #tpu.memory_space<vmem_shared>>) offsets(%arg11 : memref<120xi32, #tpu.memory_space<vmem>>) semaphore(%run_scoped3A : memref<!tpu.dma_semaphore, #tpu.memory_space<semaphore_mem>>) {add = true}
        %dma_wait3A_63 = arith.constant 0 : i32
        %dma_wait3A_64 = arith.constant 0 : i32
        %dma_wait3A_65 = tpu.memref_slice %arg13[%dma_wait3A_63, %dma_wait3A_64] : memref<10080x128xf32, #tpu.memory_space<vmem_shared>> -> memref<10080x128xf32, #tpu.memory_space<vmem_shared>>
        tpu.wait_indirect_dma semaphore(%run_scoped3A : memref<!tpu.dma_semaphore, #tpu.memory_space<semaphore_mem>>) src(%arg12 : memref<120x128xf32, #tpu.memory_space<vmem>>) dst(%dma_wait3A_65 : memref<10080x128xf32, #tpu.memory_space<vmem_shared>>)
        tpu.yield
      }) : () -> ()
      %add3A_54 = arith.constant 3 : i32
      %add3A_55 = arith.addi %add3A_45, %add3A_54 : i32
      %lt3A_56 = arith.cmpi slt, %add3A_55, %select_n3A_10 : i32
      %convert_element_type3A_57 = arith.extui %lt3A_56 : i1 to i32
      %cond3A_58 = arith.constant 0 : i32
      %cond3A_59 = arith.cmpi ne, %convert_element_type3A_57, %cond3A_58 : i32
      scf.if %cond3A_59 {
        %add3A_60 = arith.constant 3 : i32
        %add3A_61 = arith.addi %add3A_45, %add3A_60 : i32
        %mul3A_62 = arith.constant 120 : i32
        %mul3A_63 = arith.muli %add3A_61, %mul3A_62 : i32
        %add3A_64 = arith.addi %select_n3A, %mul3A_63 : i32
        "tpu.region"() ({
          %run_scoped3A = tpu.sem_alloc : memref<!tpu.dma_semaphore, #tpu.memory_space<semaphore_mem>>
          %dma_start3A_71 = tpu.memref_slice %arg2[%add3A_64] : memref<322560xi32, #tpu.memory_space<hbm>> -> memref<120xi32, #tpu.memory_space<hbm>>
          %dma_start3A_72 = tpu.memref_slice %arg2[%add3A_64] : memref<322560xi32, #tpu.memory_space<hbm>> -> memref<120xi32, #tpu.memory_space<hbm>>
          tpu.enqueue_dma source(%dma_start3A_72 : memref<120xi32, #tpu.memory_space<hbm>>) target(%arg10 : memref<120xi32, #tpu.memory_space<vmem>>) target_semaphore(%run_scoped3A : memref<!tpu.dma_semaphore, #tpu.memory_space<semaphore_mem>>)
          %dma_wait3A_73 = tpu.memref_slice %arg2[%add3A_64] : memref<322560xi32, #tpu.memory_space<hbm>> -> memref<120xi32, #tpu.memory_space<hbm>>
          %dma_wait3A_74 = tpu.memref_slice %arg2[%add3A_64] : memref<322560xi32, #tpu.memory_space<hbm>> -> memref<120xi32, #tpu.memory_space<hbm>>
          tpu.wait_dma2 semaphore(%run_scoped3A : memref<!tpu.dma_semaphore, #tpu.memory_space<semaphore_mem>>) src(%dma_wait3A_74 : memref<120xi32, #tpu.memory_space<hbm>>) dst(%arg10 : memref<120xi32, #tpu.memory_space<vmem>>)
          tpu.yield
        }) : () -> ()
        %mul3A_65 = arith.constant 120 : i32
        %mul3A_66 = arith.muli %add3A_61, %mul3A_65 : i32
        %add3A_67 = arith.addi %select_n3A, %mul3A_66 : i32
        "tpu.region"() ({
          %run_scoped3A = tpu.sem_alloc : memref<!tpu.dma_semaphore, #tpu.memory_space<semaphore_mem>>
          %dma_start3A_71 = tpu.memref_slice %arg3[%add3A_67] : memref<322560xi32, #tpu.memory_space<hbm>> -> memref<120xi32, #tpu.memory_space<hbm>>
          %dma_start3A_72 = tpu.memref_slice %arg3[%add3A_67] : memref<322560xi32, #tpu.memory_space<hbm>> -> memref<120xi32, #tpu.memory_space<hbm>>
          tpu.enqueue_dma source(%dma_start3A_72 : memref<120xi32, #tpu.memory_space<hbm>>) target(%arg11 : memref<120xi32, #tpu.memory_space<vmem>>) target_semaphore(%run_scoped3A : memref<!tpu.dma_semaphore, #tpu.memory_space<semaphore_mem>>)
          %dma_wait3A_73 = tpu.memref_slice %arg3[%add3A_67] : memref<322560xi32, #tpu.memory_space<hbm>> -> memref<120xi32, #tpu.memory_space<hbm>>
          %dma_wait3A_74 = tpu.memref_slice %arg3[%add3A_67] : memref<322560xi32, #tpu.memory_space<hbm>> -> memref<120xi32, #tpu.memory_space<hbm>>
          tpu.wait_dma2 semaphore(%run_scoped3A : memref<!tpu.dma_semaphore, #tpu.memory_space<semaphore_mem>>) src(%dma_wait3A_74 : memref<120xi32, #tpu.memory_space<hbm>>) dst(%arg11 : memref<120xi32, #tpu.memory_space<vmem>>)
          tpu.yield
        }) : () -> ()
        %dma_start3A_68 = arith.constant 0 : i32
        %dma_start3A_69 = arith.constant 0 : i32
        %dma_start3A_70 = tpu.memref_slice %arg4[%dma_start3A_68, %dma_start3A_69] : memref<10000x128xf32, #tpu.memory_space<hbm>> -> memref<10000x128xf32, #tpu.memory_space<hbm>>
        tpu.enqueue_indirect_dma source(%dma_start3A_70 : memref<10000x128xf32, #tpu.memory_space<hbm>>) target(%arg12 : memref<120x128xf32, #tpu.memory_space<vmem>>) offsets(%arg10 : memref<120xi32, #tpu.memory_space<vmem>>) semaphore(%arg15 : memref<!tpu.dma_semaphore, #tpu.memory_space<semaphore_mem>>)
      } else {
      }
    }
    %barrier3A_40 = arith.constant 0 : index
    tpu.barrier barrier_id(%barrier3A_40)
    %mul3A_41 = arith.constant 630 : i32
    %mul3A_42 = arith.muli %arg1, %mul3A_41 : i32
    "tpu.region"() ({
      %run_scoped3A = tpu.sem_alloc : memref<!tpu.dma_semaphore, #tpu.memory_space<semaphore_mem>>
      %dma_start3A_43 = arith.constant 0 : i32
      %dma_start3A_44 = arith.constant 0 : i32
      %dma_start3A_45 = tpu.memref_slice %arg6[%arg0, %arg1, %dma_start3A_43, %dma_start3A_44] : memref<2x16x630x128xf32, #tpu.memory_space<hbm>> -> memref<1x1x630x128xf32, #tpu.memory_space<hbm>>
      %dma_start3A_46 = tpu.memref_squeeze %dma_start3A_45 : memref<1x1x630x128xf32, #tpu.memory_space<hbm>> -> memref<630x128xf32, #tpu.memory_space<hbm>>
      %dma_start3A_47 = arith.constant 0 : i32
      %dma_start3A_48 = tpu.memref_slice %arg13[%mul3A_42, %dma_start3A_47] : memref<10080x128xf32, #tpu.memory_space<vmem_shared>> -> memref<630x128xf32, #tpu.memory_space<vmem_shared>>
      tpu.enqueue_dma source(%dma_start3A_48 : memref<630x128xf32, #tpu.memory_space<vmem_shared>>) target(%dma_start3A_46 : memref<630x128xf32, #tpu.memory_space<hbm>>) target_semaphore(%run_scoped3A : memref<!tpu.dma_semaphore, #tpu.memory_space<semaphore_mem>>)
      %dma_wait3A = arith.constant 0 : i32
      %dma_wait3A_49 = arith.constant 0 : i32
      %dma_wait3A_50 = tpu.memref_slice %arg6[%arg0, %arg1, %dma_wait3A, %dma_wait3A_49] : memref<2x16x630x128xf32, #tpu.memory_space<hbm>> -> memref<1x1x630x128xf32, #tpu.memory_space<hbm>>
      %dma_wait3A_51 = tpu.memref_squeeze %dma_wait3A_50 : memref<1x1x630x128xf32, #tpu.memory_space<hbm>> -> memref<630x128xf32, #tpu.memory_space<hbm>>
      %dma_wait3A_52 = arith.constant 0 : i32
      %dma_wait3A_53 = tpu.memref_slice %arg13[%mul3A_42, %dma_wait3A_52] : memref<10080x128xf32, #tpu.memory_space<vmem_shared>> -> memref<630x128xf32, #tpu.memory_space<vmem_shared>>
      tpu.wait_dma2 semaphore(%run_scoped3A : memref<!tpu.dma_semaphore, #tpu.memory_space<semaphore_mem>>) src(%dma_wait3A_53 : memref<630x128xf32, #tpu.memory_space<vmem_shared>>) dst(%dma_wait3A_51 : memref<630x128xf32, #tpu.memory_space<hbm>>)
      tpu.yield
    }) : () -> ()
    return
  }
}

#map = affine_map<(d0, d1) -> (0)>
#map1 = affine_map<(d0, d1) -> (0, 0)>
#map2 = affine_map<(d0, d1) -> (0, 0, 0, 0)>
module attributes {stable_mosaic.version = 14 : i64} {
  func.func @k(%arg0: i32, %arg1: i32, %arg2: memref<320000xi32, #tpu.memory_space<hbm>>, %arg3: memref<80x128xf32, #tpu.memory_space<hbm>>, %arg4: memref<625x128xf32, #tpu.memory_space<hbm>>, %arg5: memref<2x16x625x128xf32, #tpu.memory_space<hbm>>, %arg6: memref<80xi32, #tpu.memory_space<vmem>>, %arg7: memref<80x128xf32, #tpu.memory_space<vmem>>, %arg8: memref<10000x128xf32, #tpu.memory_space<vmem_shared>>) attributes {dimension_semantics = [#tpu.dimension_semantics<core_parallel>, #tpu.dimension_semantics<subcore_parallel>], iteration_bounds = array<i64: 2, 16>, scalar_prefetch = 0 : i64, scratch_operands = 3 : i64, tpu.core_type = #tpu.core_type<sc_vector_subcore>, window_params = [{transform_indices = #map}, {transform_indices = #map1}, {transform_indices = #map1}, {transform_indices = #map2}]} {
    %mul3A = arith.constant 625 : i32
    %mul3A_0 = arith.muli %arg1, %mul3A : i32
    "tpu.region"() ({
      %run_scoped3A = tpu.sem_alloc : memref<!tpu.dma_semaphore, #tpu.memory_space<semaphore_mem>>
      %dma_start3A = arith.constant 0 : i32
      %dma_start3A_12 = tpu.memref_slice %arg8[%mul3A_0, %dma_start3A] : memref<10000x128xf32, #tpu.memory_space<vmem_shared>> -> memref<625x128xf32, #tpu.memory_space<vmem_shared>>
      tpu.enqueue_dma source(%arg4 : memref<625x128xf32, #tpu.memory_space<hbm>>) target(%dma_start3A_12 : memref<625x128xf32, #tpu.memory_space<vmem_shared>>) target_semaphore(%run_scoped3A : memref<!tpu.dma_semaphore, #tpu.memory_space<semaphore_mem>>)
      %dma_wait3A = arith.constant 0 : i32
      %dma_wait3A_13 = tpu.memref_slice %arg8[%mul3A_0, %dma_wait3A] : memref<10000x128xf32, #tpu.memory_space<vmem_shared>> -> memref<625x128xf32, #tpu.memory_space<vmem_shared>>
      tpu.wait_dma2 semaphore(%run_scoped3A : memref<!tpu.dma_semaphore, #tpu.memory_space<semaphore_mem>>) src(%arg4 : memref<625x128xf32, #tpu.memory_space<hbm>>) dst(%dma_wait3A_13 : memref<625x128xf32, #tpu.memory_space<vmem_shared>>)
      tpu.yield
    }) : () -> ()
    "tpu.region"() ({
      %run_scoped3A = tpu.sem_alloc : memref<!tpu.dma_semaphore, #tpu.memory_space<semaphore_mem>>
      tpu.enqueue_dma source(%arg3 : memref<80x128xf32, #tpu.memory_space<hbm>>) target(%arg7 : memref<80x128xf32, #tpu.memory_space<vmem>>) target_semaphore(%run_scoped3A : memref<!tpu.dma_semaphore, #tpu.memory_space<semaphore_mem>>)
      tpu.wait_dma2 semaphore(%run_scoped3A : memref<!tpu.dma_semaphore, #tpu.memory_space<semaphore_mem>>) src(%arg3 : memref<80x128xf32, #tpu.memory_space<hbm>>) dst(%arg7 : memref<80x128xf32, #tpu.memory_space<vmem>>)
      tpu.yield
    }) : () -> ()
    %barrier3A = arith.constant 0 : index
    tpu.barrier barrier_id(%barrier3A)
    %mul3A_1 = arith.constant 16 : i32
    %mul3A_2 = arith.muli %arg0, %mul3A_1 : i32
    %add3A = arith.addi %mul3A_2, %arg1 : i32
    %mul3A_3 = arith.constant 10000 : i32
    %mul3A_4 = arith.muli %add3A, %mul3A_3 : i32
    %scan3A = arith.constant 0 : i32
    %scan3A_5 = arith.constant 125 : i32
    %scan3A_6 = arith.addi %scan3A, %scan3A_5 : i32
    %scan3A_7 = arith.constant 1 : i32
    scf.for %scan3A_12 = %scan3A to %scan3A_6 step %scan3A_7  : i32 {
      %mul3A_13 = arith.constant 1 : i32
      %mul3A_14 = arith.muli %scan3A_12, %mul3A_13 : i32
      %add3A_15 = arith.constant 0 : i32
      %add3A_16 = arith.addi %add3A_15, %mul3A_14 : i32
      %mul3A_17 = arith.constant 80 : i32
      %mul3A_18 = arith.muli %add3A_16, %mul3A_17 : i32
      %add3A_19 = arith.addi %mul3A_4, %mul3A_18 : i32
      "tpu.region"() ({
        %run_scoped3A = tpu.sem_alloc : memref<!tpu.dma_semaphore, #tpu.memory_space<semaphore_mem>>
        %dma_start3A = tpu.memref_slice %arg2[%add3A_19] : memref<320000xi32, #tpu.memory_space<hbm>> -> memref<80xi32, #tpu.memory_space<hbm>>
        %dma_start3A_20 = tpu.memref_slice %arg2[%add3A_19] : memref<320000xi32, #tpu.memory_space<hbm>> -> memref<80xi32, #tpu.memory_space<hbm>>
        tpu.enqueue_dma source(%dma_start3A_20 : memref<80xi32, #tpu.memory_space<hbm>>) target(%arg6 : memref<80xi32, #tpu.memory_space<vmem>>) target_semaphore(%run_scoped3A : memref<!tpu.dma_semaphore, #tpu.memory_space<semaphore_mem>>)
        %dma_wait3A = tpu.memref_slice %arg2[%add3A_19] : memref<320000xi32, #tpu.memory_space<hbm>> -> memref<80xi32, #tpu.memory_space<hbm>>
        %dma_wait3A_21 = tpu.memref_slice %arg2[%add3A_19] : memref<320000xi32, #tpu.memory_space<hbm>> -> memref<80xi32, #tpu.memory_space<hbm>>
        tpu.wait_dma2 semaphore(%run_scoped3A : memref<!tpu.dma_semaphore, #tpu.memory_space<semaphore_mem>>) src(%dma_wait3A_21 : memref<80xi32, #tpu.memory_space<hbm>>) dst(%arg6 : memref<80xi32, #tpu.memory_space<vmem>>)
        tpu.yield
      }) : () -> ()
      "tpu.region"() ({
        %run_scoped3A = tpu.sem_alloc : memref<!tpu.dma_semaphore, #tpu.memory_space<semaphore_mem>>
        %dma_start3A = arith.constant 0 : i32
        %dma_start3A_20 = arith.constant 0 : i32
        %dma_start3A_21 = tpu.memref_slice %arg8[%dma_start3A, %dma_start3A_20] : memref<10000x128xf32, #tpu.memory_space<vmem_shared>> -> memref<10000x128xf32, #tpu.memory_space<vmem_shared>>
        tpu.enqueue_indirect_dma source(%arg7 : memref<80x128xf32, #tpu.memory_space<vmem>>) target(%dma_start3A_21 : memref<10000x128xf32, #tpu.memory_space<vmem_shared>>) offsets(%arg6 : memref<80xi32, #tpu.memory_space<vmem>>) semaphore(%run_scoped3A : memref<!tpu.dma_semaphore, #tpu.memory_space<semaphore_mem>>) {add = true}
        %dma_wait3A = arith.constant 0 : i32
        %dma_wait3A_22 = arith.constant 0 : i32
        %dma_wait3A_23 = tpu.memref_slice %arg8[%dma_wait3A, %dma_wait3A_22] : memref<10000x128xf32, #tpu.memory_space<vmem_shared>> -> memref<10000x128xf32, #tpu.memory_space<vmem_shared>>
        tpu.wait_indirect_dma semaphore(%run_scoped3A : memref<!tpu.dma_semaphore, #tpu.memory_space<semaphore_mem>>) src(%arg7 : memref<80x128xf32, #tpu.memory_space<vmem>>) dst(%dma_wait3A_23 : memref<10000x128xf32, #tpu.memory_space<vmem_shared>>)
        tpu.yield
      }) : () -> ()
    }
    %scan3A_8 = arith.constant 125 : i32
    %barrier3A_9 = arith.constant 0 : index
    tpu.barrier barrier_id(%barrier3A_9)
    %mul3A_10 = arith.constant 625 : i32
    %mul3A_11 = arith.muli %arg1, %mul3A_10 : i32
    "tpu.region"() ({
      %run_scoped3A = tpu.sem_alloc : memref<!tpu.dma_semaphore, #tpu.memory_space<semaphore_mem>>
      %dma_start3A = arith.constant 0 : i32
      %dma_start3A_12 = arith.constant 0 : i32
      %dma_start3A_13 = tpu.memref_slice %arg5[%arg0, %arg1, %dma_start3A, %dma_start3A_12] : memref<2x16x625x128xf32, #tpu.memory_space<hbm>> -> memref<1x1x625x128xf32, #tpu.memory_space<hbm>>
      %dma_start3A_14 = tpu.memref_squeeze %dma_start3A_13 : memref<1x1x625x128xf32, #tpu.memory_space<hbm>> -> memref<625x128xf32, #tpu.memory_space<hbm>>
      %dma_start3A_15 = arith.constant 0 : i32
      %dma_start3A_16 = tpu.memref_slice %arg8[%mul3A_11, %dma_start3A_15] : memref<10000x128xf32, #tpu.memory_space<vmem_shared>> -> memref<625x128xf32, #tpu.memory_space<vmem_shared>>
      tpu.enqueue_dma source(%dma_start3A_16 : memref<625x128xf32, #tpu.memory_space<vmem_shared>>) target(%dma_start3A_14 : memref<625x128xf32, #tpu.memory_space<hbm>>) target_semaphore(%run_scoped3A : memref<!tpu.dma_semaphore, #tpu.memory_space<semaphore_mem>>)
      %dma_wait3A = arith.constant 0 : i32
      %dma_wait3A_17 = arith.constant 0 : i32
      %dma_wait3A_18 = tpu.memref_slice %arg5[%arg0, %arg1, %dma_wait3A, %dma_wait3A_17] : memref<2x16x625x128xf32, #tpu.memory_space<hbm>> -> memref<1x1x625x128xf32, #tpu.memory_space<hbm>>
      %dma_wait3A_19 = tpu.memref_squeeze %dma_wait3A_18 : memref<1x1x625x128xf32, #tpu.memory_space<hbm>> -> memref<625x128xf32, #tpu.memory_space<hbm>>
      %dma_wait3A_20 = arith.constant 0 : i32
      %dma_wait3A_21 = tpu.memref_slice %arg8[%mul3A_11, %dma_wait3A_20] : memref<10000x128xf32, #tpu.memory_space<vmem_shared>> -> memref<625x128xf32, #tpu.memory_space<vmem_shared>>
      tpu.wait_dma2 semaphore(%run_scoped3A : memref<!tpu.dma_semaphore, #tpu.memory_space<semaphore_mem>>) src(%dma_wait3A_21 : memref<625x128xf32, #tpu.memory_space<vmem_shared>>) dst(%dma_wait3A_19 : memref<625x128xf32, #tpu.memory_space<hbm>>)
      tpu.yield
    }) : () -> ()
    return
  }
}

module attributes {stable_mosaic.version = 14 : i64} {
  func.func @body(%arg0: i32, %arg1: memref<2000x128xf32, #tpu.memory_space<vmem>>, %arg2: memref<128x128xf32, #tpu.memory_space<vmem>>, %arg3: memref<2000x128xf32, #tpu.memory_space<vmem>>) attributes {dimension_semantics = [#tpu.dimension_semantics<arbitrary>], iteration_bounds = array<i64: 5>, scalar_prefetch = 0 : i64, scratch_operands = 0 : i64, tpu.core_type = #tpu.core_type<tc>, window_params = [{transform_indices = @transform_0, window_bounds = array<i64: 2000, 128>}, {pipeline_mode = #tpu.pipeline_mode<synchronous>, transform_indices = @transform_1, window_bounds = array<i64: 128, 128>}, {transform_indices = @transform_2, window_bounds = array<i64: 2000, 128>}]} {
    %get3A = arith.constant 0 : index
    %get3A_0 = arith.constant 0 : index
    %get3A_1 = vector.load %arg1[%get3A, %get3A_0] : memref<2000x128xf32, #tpu.memory_space<vmem>>, vector<2000x128xf32>
    %get3A_2 = arith.constant 0 : index
    %get3A_3 = arith.constant 0 : index
    %get3A_4 = vector.load %arg2[%get3A_2, %get3A_3] : memref<128x128xf32, #tpu.memory_space<vmem>>, vector<128x128xf32>
    %dot_general3A = arith.constant dense<0.000000e+00> : vector<2000x128xf32>
    %dot_general3A_5 = tpu.matmul %get3A_1, %get3A_4, %dot_general3A {dimension_numbers = #tpu.dot_dimension_numbers<[1], [0], [0], [1], [0, 0, 1, 1], [], []>, transpose_lhs_hint = false} : vector<2000x128xf32>, vector<128x128xf32>, vector<2000x128xf32> -> vector<2000x128xf32>
    %swap3A = arith.constant 0 : index
    %swap3A_6 = arith.constant 0 : index
    %swap3A_7 = vector.load %arg3[%swap3A, %swap3A_6] : memref<2000x128xf32, #tpu.memory_space<vmem>>, vector<2000x128xf32>
    tpu.vector_store %arg3[%swap3A, %swap3A_6], %dot_general3A_5 {strides = array<i32>} : memref<2000x128xf32, #tpu.memory_space<vmem>>, vector<2000x128xf32>,
    return
  }
  func.func @transform_0(%arg0: i32) -> (i32, i32) {
    %c0_i32 = arith.constant 0 : i32
    %c0_i32_0 = arith.constant 0 : i32
    return %arg0, %c0_i32 : i32, i32
  }
  func.func @transform_1(%arg0: i32) -> (i32, i32) {
    %c0_i32 = arith.constant 0 : i32
    %c0_i32_0 = arith.constant 0 : i32
    %c0_i32_1 = arith.constant 0 : i32
    return %c0_i32, %c0_i32_0 : i32, i32
  }
  func.func @transform_2(%arg0: i32) -> (i32, i32) {
    %c0_i32 = arith.constant 0 : i32
    %c0_i32_0 = arith.constant 0 : i32
    return %arg0, %c0_i32 : i32, i32
  }
}

module attributes {stable_mosaic.version = 14 : i64} {
  func.func @body(%arg0: i32, %arg1: memref<2000x128xf32, #tpu.memory_space<vmem>>, %arg2: memref<2x2000x128xf32, #tpu.memory_space<vmem>>, %arg3: memref<2000x128xf32, #tpu.memory_space<vmem>>, %arg4: memref<2000x1xf32, #tpu.memory_space<vmem>>) attributes {dimension_semantics = [#tpu.dimension_semantics<arbitrary>], iteration_bounds = array<i64: 5>, scalar_prefetch = 0 : i64, scratch_operands = 0 : i64, tpu.core_type = #tpu.core_type<tc>, window_params = [{transform_indices = @transform_0, window_bounds = array<i64: 2000, 128>}, {transform_indices = @transform_1, window_bounds = array<i64: 2, 2000, 128>}, {transform_indices = @transform_2, window_bounds = array<i64: 2000, 128>}, {transform_indices = @transform_3, window_bounds = array<i64: 2000, 1>}]} {
    %get3A = arith.constant 0 : index
    %get3A_0 = arith.constant 0 : index
    %get3A_1 = arith.constant 0 : index
    %get3A_2 = vector.load %arg2[%get3A, %get3A_0, %get3A_1] : memref<2x2000x128xf32, #tpu.memory_space<vmem>>, vector<1x2000x1xf32>
    %get3A_3 = vector.shape_cast %get3A_2 : vector<1x2000x1xf32> to vector<2000x1xf32>
    %get3A_4 = arith.constant 1 : index
    %get3A_5 = arith.constant 0 : index
    %get3A_6 = arith.constant 0 : index
    %get3A_7 = vector.load %arg2[%get3A_4, %get3A_5, %get3A_6] : memref<2x2000x128xf32, #tpu.memory_space<vmem>>, vector<1x2000x1xf32>
    %get3A_8 = vector.shape_cast %get3A_7 : vector<1x2000x1xf32> to vector<2000x1xf32>
    %add3A = arith.addf %get3A_3, %get3A_8 : vector<2000x1xf32>
    %add3A_9 = arith.constant 1.000000e+00 : f32
    %add3A_10 = vector.broadcast %add3A_9 : f32 to vector<2000x1xf32>
    %add3A_11 = arith.addf %add3A, %add3A_10 : vector<2000x1xf32>
    %rsqrt3A = math.rsqrt %add3A_11 : vector<2000x1xf32>
    %swap3A = arith.constant 0 : index
    %swap3A_12 = arith.constant 0 : index
    %swap3A_13 = vector.load %arg4[%swap3A, %swap3A_12] : memref<2000x1xf32, #tpu.memory_space<vmem>>, vector<2000x1xf32>
    tpu.vector_store %arg4[%swap3A, %swap3A_12], %rsqrt3A {strides = array<i32>} : memref<2000x1xf32, #tpu.memory_space<vmem>>, vector<2000x1xf32>,
    %get3A_14 = arith.constant 0 : index
    %get3A_15 = arith.constant 0 : index
    %get3A_16 = vector.load %arg1[%get3A_14, %get3A_15] : memref<2000x128xf32, #tpu.memory_space<vmem>>, vector<2000x128xf32>
    %mul3A = vector.broadcast %rsqrt3A : vector<2000x1xf32> to vector<2000x128xf32>
    %mul3A_17 = arith.mulf %mul3A, %get3A_16 : vector<2000x128xf32>
    %swap3A_18 = arith.constant 0 : index
    %swap3A_19 = arith.constant 0 : index
    %swap3A_20 = vector.load %arg3[%swap3A_18, %swap3A_19] : memref<2000x128xf32, #tpu.memory_space<vmem>>, vector<2000x128xf32>
    tpu.vector_store %arg3[%swap3A_18, %swap3A_19], %mul3A_17 {strides = array<i32>} : memref<2000x128xf32, #tpu.memory_space<vmem>>, vector<2000x128xf32>,
    return
  }
  func.func @transform_0(%arg0: i32) -> (i32, i32) {
    %c0_i32 = arith.constant 0 : i32
    %c0_i32_0 = arith.constant 0 : i32
    return %arg0, %c0_i32 : i32, i32
  }
  func.func @transform_1(%arg0: i32) -> (i32, i32, i32) {
    %c0_i32 = arith.constant 0 : i32
    %c0_i32_0 = arith.constant 0 : i32
    %c0_i32_1 = arith.constant 0 : i32
    return %c0_i32, %arg0, %c0_i32_0 : i32, i32, i32
  }
  func.func @transform_2(%arg0: i32) -> (i32, i32) {
    %c0_i32 = arith.constant 0 : i32
    %c0_i32_0 = arith.constant 0 : i32
    return %arg0, %c0_i32 : i32, i32
  }
  func.func @transform_3(%arg0: i32) -> (i32, i32) {
    %c0_i32 = arith.constant 0 : i32
    %c0_i32_0 = arith.constant 0 : i32
    return %arg0, %c0_i32 : i32, i32
  }
}

module attributes {stable_mosaic.version = 14 : i64} {
  func.func @body(%arg0: i32, %arg1: memref<2x2000x128xf32, #tpu.memory_space<vmem>>, %arg2: memref<2000x128xf32, #tpu.memory_space<vmem>>, %arg3: memref<2000x1xf32, #tpu.memory_space<vmem>>, %arg4: memref<1x128xf32, #tpu.memory_space<vmem>>, %arg5: memref<2000x128xf32, #tpu.memory_space<vmem>>) attributes {dimension_semantics = [#tpu.dimension_semantics<arbitrary>], iteration_bounds = array<i64: 5>, scalar_prefetch = 0 : i64, scratch_operands = 0 : i64, tpu.core_type = #tpu.core_type<tc>, window_params = [{transform_indices = @transform_0, window_bounds = array<i64: 2, 2000, 128>}, {transform_indices = @transform_1, window_bounds = array<i64: 2000, 128>}, {transform_indices = @transform_2, window_bounds = array<i64: 2000, 1>}, {pipeline_mode = #tpu.pipeline_mode<synchronous>, transform_indices = @transform_3, window_bounds = array<i64: 1, 128>}, {transform_indices = @transform_4, window_bounds = array<i64: 2000, 128>}]} {
    %get3A = arith.constant 0 : index
    %get3A_0 = arith.constant 0 : index
    %get3A_1 = arith.constant 0 : index
    %get3A_2 = vector.load %arg1[%get3A, %get3A_0, %get3A_1] : memref<2x2000x128xf32, #tpu.memory_space<vmem>>, vector<1x2000x128xf32>
    %get3A_3 = vector.shape_cast %get3A_2 : vector<1x2000x128xf32> to vector<2000x128xf32>
    %get3A_4 = arith.constant 1 : index
    %get3A_5 = arith.constant 0 : index
    %get3A_6 = arith.constant 0 : index
    %get3A_7 = vector.load %arg1[%get3A_4, %get3A_5, %get3A_6] : memref<2x2000x128xf32, #tpu.memory_space<vmem>>, vector<1x2000x128xf32>
    %get3A_8 = vector.shape_cast %get3A_7 : vector<1x2000x128xf32> to vector<2000x128xf32>
    %add3A = arith.addf %get3A_3, %get3A_8 : vector<2000x128xf32>
    %get3A_9 = arith.constant 0 : index
    %get3A_10 = arith.constant 0 : index
    %get3A_11 = vector.load %arg2[%get3A_9, %get3A_10] : memref<2000x128xf32, #tpu.memory_space<vmem>>, vector<2000x128xf32>
    %add3A_12 = arith.addf %add3A, %get3A_11 : vector<2000x128xf32>
    %get3A_13 = arith.constant 0 : index
    %get3A_14 = arith.constant 0 : index
    %get3A_15 = vector.load %arg3[%get3A_13, %get3A_14] : memref<2000x1xf32, #tpu.memory_space<vmem>>, vector<2000x1xf32>
    %mul3A = vector.broadcast %get3A_15 : vector<2000x1xf32> to vector<2000x128xf32>
    %mul3A_16 = arith.mulf %mul3A, %add3A_12 : vector<2000x128xf32>
    %get3A_17 = arith.constant 0 : index
    %get3A_18 = arith.constant 0 : index
    %get3A_19 = vector.load %arg4[%get3A_17, %get3A_18] : memref<1x128xf32, #tpu.memory_space<vmem>>, vector<1x128xf32>
    %add3A_20 = vector.broadcast %get3A_19 : vector<1x128xf32> to vector<2000x128xf32>
    %add3A_21 = arith.addf %mul3A_16, %add3A_20 : vector<2000x128xf32>
    %max3A = arith.constant 0.000000e+00 : f32
    %max3A_22 = vector.broadcast %max3A : f32 to vector<2000x128xf32>
    %max3A_23 = arith.maximumf %add3A_21, %max3A_22 : vector<2000x128xf32>
    %get3A_24 = arith.constant 0 : index
    %get3A_25 = arith.constant 0 : index
    %get3A_26 = vector.load %arg3[%get3A_24, %get3A_25] : memref<2000x1xf32, #tpu.memory_space<vmem>>, vector<2000x1xf32>
    %mul3A_27 = vector.broadcast %get3A_26 : vector<2000x1xf32> to vector<2000x128xf32>
    %mul3A_28 = arith.mulf %mul3A_27, %max3A_23 : vector<2000x128xf32>
    %swap3A = arith.constant 0 : index
    %swap3A_29 = arith.constant 0 : index
    %swap3A_30 = vector.load %arg5[%swap3A, %swap3A_29] : memref<2000x128xf32, #tpu.memory_space<vmem>>, vector<2000x128xf32>
    tpu.vector_store %arg5[%swap3A, %swap3A_29], %mul3A_28 {strides = array<i32>} : memref<2000x128xf32, #tpu.memory_space<vmem>>, vector<2000x128xf32>,
    return
  }
  func.func @transform_0(%arg0: i32) -> (i32, i32, i32) {
    %c0_i32 = arith.constant 0 : i32
    %c0_i32_0 = arith.constant 0 : i32
    %c0_i32_1 = arith.constant 0 : i32
    return %c0_i32, %arg0, %c0_i32_0 : i32, i32, i32
  }
  func.func @transform_1(%arg0: i32) -> (i32, i32) {
    %c0_i32 = arith.constant 0 : i32
    %c0_i32_0 = arith.constant 0 : i32
    return %arg0, %c0_i32 : i32, i32
  }
  func.func @transform_2(%arg0: i32) -> (i32, i32) {
    %c0_i32 = arith.constant 0 : i32
    %c0_i32_0 = arith.constant 0 : i32
    return %arg0, %c0_i32 : i32, i32
  }
  func.func @transform_3(%arg0: i32) -> (i32, i32) {
    %c0_i32 = arith.constant 0 : i32
    %c0_i32_0 = arith.constant 0 : i32
    %c0_i32_1 = arith.constant 0 : i32
    return %c0_i32, %c0_i32_0 : i32, i32
  }
  func.func @transform_4(%arg0: i32) -> (i32, i32) {
    %c0_i32 = arith.constant 0 : i32
    %c0_i32_0 = arith.constant 0 : i32
    return %arg0, %c0_i32 : i32, i32
  }
}

module attributes {stable_mosaic.version = 14 : i64} {
  func.func @body(%arg0: i32, %arg1: memref<2x2000x128xf32, #tpu.memory_space<vmem>>, %arg2: memref<2000x128xf32, #tpu.memory_space<vmem>>, %arg3: memref<2000x1xf32, #tpu.memory_space<vmem>>, %arg4: memref<128x64xf32, #tpu.memory_space<vmem>>, %arg5: memref<1x64xf32, #tpu.memory_space<vmem>>, %arg6: memref<2000x64xf32, #tpu.memory_space<vmem>>) attributes {dimension_semantics = [#tpu.dimension_semantics<arbitrary>], iteration_bounds = array<i64: 5>, scalar_prefetch = 0 : i64, scratch_operands = 0 : i64, tpu.core_type = #tpu.core_type<tc>, window_params = [{transform_indices = @transform_0, window_bounds = array<i64: 2, 2000, 128>}, {transform_indices = @transform_1, window_bounds = array<i64: 2000, 128>}, {transform_indices = @transform_2, window_bounds = array<i64: 2000, 1>}, {pipeline_mode = #tpu.pipeline_mode<synchronous>, transform_indices = @transform_3, window_bounds = array<i64: 128, 64>}, {pipeline_mode = #tpu.pipeline_mode<synchronous>, transform_indices = @transform_4, window_bounds = array<i64: 1, 64>}, {transform_indices = @transform_5, window_bounds = array<i64: 2000, 64>}]} {
    %get3A = arith.constant 0 : index
    %get3A_0 = arith.constant 0 : index
    %get3A_1 = vector.load %arg3[%get3A, %get3A_0] : memref<2000x1xf32, #tpu.memory_space<vmem>>, vector<2000x1xf32>
    %get3A_2 = arith.constant 0 : index
    %get3A_3 = arith.constant 0 : index
    %get3A_4 = arith.constant 0 : index
    %get3A_5 = vector.load %arg1[%get3A_2, %get3A_3, %get3A_4] : memref<2x2000x128xf32, #tpu.memory_space<vmem>>, vector<1x2000x128xf32>
    %get3A_6 = vector.shape_cast %get3A_5 : vector<1x2000x128xf32> to vector<2000x128xf32>
    %get3A_7 = arith.constant 1 : index
    %get3A_8 = arith.constant 0 : index
    %get3A_9 = arith.constant 0 : index
    %get3A_10 = vector.load %arg1[%get3A_7, %get3A_8, %get3A_9] : memref<2x2000x128xf32, #tpu.memory_space<vmem>>, vector<1x2000x128xf32>
    %get3A_11 = vector.shape_cast %get3A_10 : vector<1x2000x128xf32> to vector<2000x128xf32>
    %add3A = arith.addf %get3A_6, %get3A_11 : vector<2000x128xf32>
    %get3A_12 = arith.constant 0 : index
    %get3A_13 = arith.constant 0 : index
    %get3A_14 = vector.load %arg2[%get3A_12, %get3A_13] : memref<2000x128xf32, #tpu.memory_space<vmem>>, vector<2000x128xf32>
    %add3A_15 = arith.addf %add3A, %get3A_14 : vector<2000x128xf32>
    %mul3A = vector.broadcast %get3A_1 : vector<2000x1xf32> to vector<2000x128xf32>
    %mul3A_16 = arith.mulf %mul3A, %add3A_15 : vector<2000x128xf32>
    %get3A_17 = arith.constant 0 : index
    %get3A_18 = arith.constant 0 : index
    %get3A_19 = vector.load %arg4[%get3A_17, %get3A_18] : memref<128x64xf32, #tpu.memory_space<vmem>>, vector<128x64xf32>
    %dot_general3A = arith.constant dense<0.000000e+00> : vector<2000x64xf32>
    %dot_general3A_20 = tpu.matmul %mul3A_16, %get3A_19, %dot_general3A {dimension_numbers = #tpu.dot_dimension_numbers<[1], [0], [0], [1], [0, 0, 1, 1], [], []>, transpose_lhs_hint = false} : vector<2000x128xf32>, vector<128x64xf32>, vector<2000x64xf32> -> vector<2000x64xf32>
    %get3A_21 = arith.constant 0 : index
    %get3A_22 = arith.constant 0 : index
    %get3A_23 = vector.load %arg5[%get3A_21, %get3A_22] : memref<1x64xf32, #tpu.memory_space<vmem>>, vector<1x64xf32>
    %add3A_24 = vector.broadcast %get3A_23 : vector<1x64xf32> to vector<2000x64xf32>
    %add3A_25 = arith.addf %dot_general3A_20, %add3A_24 : vector<2000x64xf32>
    %reduce_max3A = arith.constant dense<0xFF800000> : vector<2000xf32>
    %reduce_max3A_26 = vector.multi_reduction <maximumf>, %add3A_25, %reduce_max3A [1] : vector<2000x64xf32> to vector<2000xf32>
    %broadcast_in_dim3A = vector.shape_cast %reduce_max3A_26 : vector<2000xf32> to vector<2000x1xf32>
    %sub3A = vector.broadcast %broadcast_in_dim3A : vector<2000x1xf32> to vector<2000x64xf32>
    %sub3A_27 = arith.subf %add3A_25, %sub3A : vector<2000x64xf32>
    %exp3A = math.exp %sub3A_27 : vector<2000x64xf32>
    %reduce_sum3A = arith.constant dense<0.000000e+00> : vector<2000xf32>
    %reduce_sum3A_28 = vector.multi_reduction <add>, %exp3A, %reduce_sum3A [1] : vector<2000x64xf32> to vector<2000xf32>
    %broadcast_in_dim3A_29 = vector.shape_cast %reduce_sum3A_28 : vector<2000xf32> to vector<2000x1xf32>
    %log3A = math.log %broadcast_in_dim3A_29 : vector<2000x1xf32>
    %add3A_30 = arith.addf %log3A, %broadcast_in_dim3A : vector<2000x1xf32>
    %sub3A_31 = vector.broadcast %add3A_30 : vector<2000x1xf32> to vector<2000x64xf32>
    %sub3A_32 = arith.subf %add3A_25, %sub3A_31 : vector<2000x64xf32>
    %swap3A = arith.constant 0 : index
    %swap3A_33 = arith.constant 0 : index
    %swap3A_34 = vector.load %arg6[%swap3A, %swap3A_33] : memref<2000x64xf32, #tpu.memory_space<vmem>>, vector<2000x64xf32>
    tpu.vector_store %arg6[%swap3A, %swap3A_33], %sub3A_32 {strides = array<i32>} : memref<2000x64xf32, #tpu.memory_space<vmem>>, vector<2000x64xf32>,
    return
  }
  func.func @transform_0(%arg0: i32) -> (i32, i32, i32) {
    %c0_i32 = arith.constant 0 : i32
    %c0_i32_0 = arith.constant 0 : i32
    %c0_i32_1 = arith.constant 0 : i32
    return %c0_i32, %arg0, %c0_i32_0 : i32, i32, i32
  }
  func.func @transform_1(%arg0: i32) -> (i32, i32) {
    %c0_i32 = arith.constant 0 : i32
    %c0_i32_0 = arith.constant 0 : i32
    return %arg0, %c0_i32 : i32, i32
  }
  func.func @transform_2(%arg0: i32) -> (i32, i32) {
    %c0_i32 = arith.constant 0 : i32
    %c0_i32_0 = arith.constant 0 : i32
    return %arg0, %c0_i32 : i32, i32
  }
  func.func @transform_3(%arg0: i32) -> (i32, i32) {
    %c0_i32 = arith.constant 0 : i32
    %c0_i32_0 = arith.constant 0 : i32
    %c0_i32_1 = arith.constant 0 : i32
    return %c0_i32, %c0_i32_0 : i32, i32
  }
  func.func @transform_4(%arg0: i32) -> (i32, i32) {
    %c0_i32 = arith.constant 0 : i32
    %c0_i32_0 = arith.constant 0 : i32
    %c0_i32_1 = arith.constant 0 : i32
    return %c0_i32, %c0_i32_0 : i32, i32
  }
  func.func @transform_5(%arg0: i32) -> (i32, i32) {
    %c0_i32 = arith.constant 0 : i32
    %c0_i32_0 = arith.constant 0 : i32
    return %arg0, %c0_i32 : i32, i32
  }
}

</mosaic_0001>

<sc_bundles>
// kernel: kernel.12.cloned.1.call-start
scs
__scs_entry_jumppad:
0x0: {  	(pc) =	sbr.rel $0x88, $3  }
0x1: {  	(tag) =	ssettag $0x0;
	lr =	simm.s32 $0x1  }
0x2: {  	[smem:$0x3F9B] =	sst lr;
	_ =	strace $0xD0000000  }
0x3: {  	_ = 	snop  }
0x4: {  	_ = 	snop  }
0x5: {  	_ = 	snop  }
0x6: {  	_ = 	snop  }
0x7: {  	_ = 	snop  }
__scs_overlays_trampoline_lowered:
0x8: {  	[smem:$0x3FAA] =	sst s0  }
0x9: {  	[smem:$0x3FAB] =	sst s1  }
0xa: {  	[smem:$0x3FAC] =	sst s2  }
0xb: {  	[smem:$0x3FAD] =	sst s3  }
0xc: {  	[smem:$0x3FAE] =	sst s4  }
0xd: {  	[smem:$0x3FAF] =	sst s5  }
0xe: {  	[smem:$0x3FB0] =	sst s6  }
0xf: {  	[smem:$0x3FB1] =	sst s7  }
0x10: {  	[smem:$0x3FB2] =	sst s8  }
0x11: {  	[smem:$0x3FB3] =	sst s9;
	s0 =	simm.s32 @!p0 $0x0  }
0x12: {  	s1 =	sld [smem:$0x3F99];
	s0 =	simm.s32 @p0 $0x1  }
0x13: {  	[smem:$0x3FB4] =	sst s0;
	s0 =	simm.s32 @!p1 $0x0  }
0x14: {  	s2 =	sld [smem:$0x3F98];
	s0 =	simm.s32 @p1 $0x1  }
0x15: {  	[smem:$0x3FB5] =	sst s0;
	s0 =	simm.s32 @!p2 $0x0  }
0x16: {  	s3 =	sld [smem:$0x3FDB];
	s0 =	simm.s32 @p2 $0x1  }
0x17: {  	s4 =	simm.s32 $0x1BF5;
	[smem:$0x3FB7] =	sst s0  }
0x18: {  	s0 =	sld [smem:$0x3F9A];
	_ =	swait.ge [sflag:s4], $0x0  }
0x19: {  	s7 =	sld [smem:$0x3F9B]  }
0x1a: {  	s8 =	sadd.s32 $0xFFFFE003, lr  }
0x1b: {  	s9 =	sadd.s32 $0xFFFFFEF7, lr;
	s5 =	simm.s32 $0xFFFFFFFF;
	p2 =	slt.u32 s8, $0xFFFFF086  }
0x1c: {  	p1 =	slt.u32 s9, $0xF7A;
	s5 =	simm.s32 @!p2 $0x0  }
0x1d: {  	s5 =	simm.s32 @p1 $0x1;
	p0 =	seq.s32 s7, s2  }
0x1e: {  	s7 =	smul.u32 @!p0 $0xF7A, s2;
	p2 =	seq.s32 @!p0 s5, $0x0  }
0x1f: {  	s9 =	smul.u32 $0xF7A, s1;
	s8 =	simm.s32 @!p0 $0x1BF5;
	p2 =	por !p2, p0  }
0x20: {  	[sflag:s8] =	ssyncset.s32 @!p0 $0xFFFFF086;
	s6 =	sadd.s32 @!p0 s3, s7;
	s7 =	simm.s32 @!p0 $0x108  }
0x21: {  	s3 =	sadd.s32 s3, s9;
	s6 =	sadd.s32 @!p0 $0x88, s6;
	s7 =	simm.s32 @p2 $0x1082  }
0x22: {  	[simem:s7], [sflag:s8] =	dma.local @!p0 [hbm:s6], $0xF7A  }
0x23: {  	s9 =	sor.u32 $0xD0000000, s2;
	s6 =	simm.s32 $0x108;
	_ =	swait.ge @!p0 [sflag:s8], $0x0  }
0x24: {  	s3 =	sadd.s32 $0x88, s3;
	s6 =	simm.s32 @!p1 $0x1082;
	[sflag:s4] =	ssyncset.s32 $0xFFFFF086  }
0x25: {  	[simem:s6], [sflag:s4] =	dma.local [hbm:s3], $0xF7A  }
0x26: {  	[smem:$0x3F9B] =	sst s1;
	(tag) =	ssettag s2;
	_ =	strace s9  }
0x27: {  	s1 =	sld [smem:$0x3FAB]  }
0x28: {  	s2 =	sld [smem:$0x3FAC]  }
0x29: {  	s4 =	sld [smem:$0x3FAE]  }
0x2a: {  	p0 =	seq.s32 s5, $0x0;
	s5 =	sld [smem:$0x3FAF]  }
0x2b: {  	s6 =	sld [smem:$0x3FB0]  }
0x2c: {  	s7 =	sld [smem:$0x3FB1]  }
0x2d: {  	s3 =	simm.s32 $0x108;
	s8 =	sld [smem:$0x3FB2]  }
0x2e: {  	s3 =	simm.s32 @!p0 $0x1082;
	s9 =	sld [smem:$0x3FB3]  }
0x2f: {  	lr =	sadd.s32 s0, s3;
	s0 =	sld [smem:$0x3FAA]  }
0x30: {  	s3 =	sld [smem:$0x3FAD]  }
0x31: {  	[smem:$0x3FB6] =	sst s10  }
0x32: {  	s10 =	sld [smem:$0x3FB4];
	_ =	sdelay $0x3  }
0x33: {  	p0 =	seq.s32 s10, $0x1;
	s10 =	sld [smem:$0x3FB6];
	_ =	sdelay $0x3  }
0x34: {  	[smem:$0x3FB6] =	sst s10  }
0x35: {  	s10 =	sld [smem:$0x3FB5];
	_ =	sdelay $0x3  }
0x36: {  	p1 =	seq.s32 s10, $0x1;
	s10 =	sld [smem:$0x3FB6];
	_ =	sdelay $0x3  }
0x37: {  	[smem:$0x3FB6] =	sst s10  }
0x38: {  	s10 =	sld [smem:$0x3FB7]  }
0x39: {  	_ = 	snop;
	(pc) =	sbr.ind lr, $3  }
0x3a: {  	_ = 	snop  }
0x3b: {  	_ = 	snop  }
0x3c: {  	p2 =	seq.s32 s10, $0x1;
	s10 =	sld [smem:$0x3FB6]  }
0x3d: {  	_ =	shalt  }
0x3e: {  	_ =	shalt  }
0x3f: {  	_ =	shalt  }
0x40: {  	_ =	shalt  }
0x41: {  	_ =	shalt  }
0x42: {  	_ =	shalt  }
0x43: {  	_ =	shalt  }
0x44: {  	_ =	shalt  }
0x45: {  	_ =	shalt  }
0x46: {  	_ =	shalt  }
0x47: {  	_ =	shalt  }
0x48: {  	_ =	shalt  }
0x49: {  	_ =	shalt  }
0x4a: {  	_ =	shalt  }
0x4b: {  	_ =	shalt  }
0x4c: {  	_ =	shalt  }
0x4d: {  	_ =	shalt  }
0x4e: {  	_ =	shalt  }
0x4f: {  	_ =	shalt  }
0x50: {  	_ =	shalt  }
0x51: {  	_ =	shalt  }
0x52: {  	_ =	shalt  }
0x53: {  	_ =	shalt  }
0x54: {  	_ =	shalt  }
0x55: {  	_ =	shalt  }
0x56: {  	_ =	shalt  }
0x57: {  	_ =	shalt  }
0x58: {  	_ =	shalt  }
0x59: {  	_ =	shalt  }
0x5a: {  	_ =	shalt  }
0x5b: {  	_ =	shalt  }
0x5c: {  	_ =	shalt  }
0x5d: {  	_ =	shalt  }
0x5e: {  	_ =	shalt  }
0x5f: {  	_ =	shalt  }
0x60: {  	_ =	shalt  }
0x61: {  	_ =	shalt  }
0x62: {  	_ =	shalt  }
0x63: {  	_ =	shalt  }
0x64: {  	_ =	shalt  }
0x65: {  	_ =	shalt  }
0x66: {  	_ =	shalt  }
0x67: {  	_ =	shalt  }
0x68: {  	_ =	shalt  }
0x69: {  	_ =	shalt  }
0x6a: {  	_ =	shalt  }
0x6b: {  	_ =	shalt  }
0x6c: {  	_ =	shalt  }
0x6d: {  	_ =	shalt  }
0x6e: {  	_ =	shalt  }
0x6f: {  	_ =	shalt  }
0x70: {  	_ =	shalt  }
0x71: {  	_ =	shalt  }
0x72: {  	_ =	shalt  }
0x73: {  	_ =	shalt  }
0x74: {  	_ =	shalt  }
0x75: {  	_ =	shalt  }
0x76: {  	_ =	shalt  }
0x77: {  	_ =	shalt  }
0x78: {  	_ =	shalt  }
0x79: {  	_ =	shalt  }
0x7a: {  	_ =	shalt  }
0x7b: {  	_ =	shalt  }
0x7c: {  	_ =	shalt  }
0x7d: {  	_ =	shalt  }
0x7e: {  	_ =	shalt  }
0x7f: {  	_ =	shalt  }
0x80: {  	_ =	shalt  }
0x81: {  	_ =	shalt  }
0x82: {  	_ =	shalt  }
0x83: {  	_ =	shalt  }
0x84: {  	_ =	shalt  }
0x85: {  	_ =	shalt  }
0x86: {  	_ =	shalt  }
0x87: {  	_ =	shalt  }
.Lfunc_end0:
.L_simem_size_0:
called_computation.1_lowered:
.L_overlay_start_0:
0x88: {  	s2 =	sld [smem:$0x3FD9]  }
0x89: {  	s3 =	sld [smem:$0x3FFE];
	_ =	sdelay $0x1  }
0x8a: {  	s1 =	srdreg.scid  }
0x8b: {  	s0 =	sand.u32 $0x1, s1  }
0x8c: {  	s17 =	sshll.u32 s0, $0xA;
	s2 =	sadd.s32 s3, s2  }
0x8d: {  	s2 =	sadd.s32 s2, s17  }
0x8e: {  	[smem:$0x3FC2] =	sst s2  }
0x8f: {  	_ = 	snop  }
0x90: {  	s2 =	sld [smem:$0x3FD0];
	(tm) =	ssettm $0x1  }
0x91: {  	s18 =	sld [smem:$0x3FFB];
	_ =	sdelay $0x3  }
0x92: {  	_ =	strace s18  }
0x93: {  	s3 =	sld [smem:$0x3FFC];
	_ =	sdelay $0x3  }
0x94: {  	_ =	strace s3  }
0x95: {  	s3 =	sld [smem:$0x3FFD];
	_ =	sdelay $0x3  }
0x96: {  	_ =	strace s3  }
0x97: {  	_ =	strace $0x8FFFFFFF  }
0x98: {  	s19 =	sld [smem:$0x3FDB];
	_ =	sdelay $0x1  }
0x99: {  	s4 =	simm.s32 $_scs_section_size  }
0x9a: {  	s5 =	simm.s32 $_size__tile_overlayer_lowered;
	s6 =	simm.s32 $_tile_overlayer_lowered  }
0x9b: {  	s22 =	simm.s32 $0x1BFF;
	s21 =	sshll.u32 s6, $0x1;
	s3 =	sadd.s32 s4, s19  }
0x9c: {  	s7 =	simm.s32 $0x0;
	s20 =	sshll.u32 s5, $0x1;
	s5 =	sadd.s32 s21, s3  }
0x9d: {  	[timem:s7], [sflag:s22] =	dma.local [hbm:s5], s20  }
0x9e: {  	_ =	swait.ge [sflag:s22], s20  }
0x9f: {  	s4 =	ssub.s32 $0x0, s20;
	[sflag:s22] =	ssyncset.done $0x0  }
0xa0: {  	[sflag:s22] =	ssyncadd.s32 s4;
	_ =	sdelay $0x1  }
0xa1: {  	s23 =	simm.s32 $0x1B8B  }
0xa2: {  	_ =	swait.ge [sflag:s23], $0x1  }
0xa3: {  	[sflag:s23] =	ssyncset.done $0x0  }
0xa4: {  	s25 =	simm.s32 $0x1B8E;
	s24 =	sld [smem:$0x3FFE];
	[sflag:s23] =	ssyncadd.s32 $0xFFFFFFFF  }
0xa5: {  	s26 =	simm.s32 $execute0_lowered;
	[smem:$0x3FD2] =	sst s25  }
0xa6: {  	s5 =	sshll.u32 s26, $0x1;
	_ =	strace $0x80000049;
	[dreg:$0x1] =	wrdreg $0xFFFFFFFF  }
0xa7: {  	s28 =	simm.s32 $_size_execute0_lowered;
	s3 =	sadd.s32 s3, s5;
	[dreg:$0x0] =	wrdreg $0x0  }
0xa8: {  	s5 =	sshll.u32 s28, $0x1;
	[dreg:$0x2] =	wrdreg s3  }
0xa9: {  	[dreg:$0x3] =	wrdreg s5  }
0xaa: {  	[dreg:$0x4] =	wrdreg $0xC0  }
0xab: {  	_ =	task [dreg:s7], $0x5FFFF  }
0xac: {  	[dreg:$0x1] =	wrdreg $0xFFFFFFFF  }
0xad: {  	[dreg:$0x0] =	wrdreg $0x60  }
0xae: {  	[dreg:$0x2] =	wrdreg s2  }
0xaf: {  	[dreg:$0x3] =	wrdreg s24  }
0xb0: {  	[dreg:$0x4] =	wrdreg $0x7A000  }
0xb1: {  	[dreg:$0x5] =	wrdreg $0x9  }
0xb2: {  	_ =	task.clear_ibuf [dreg:s7], $0x6FFFF;
	_ =	strace $0x90000049  }
0xb3: {  	s29 =	simm.s32 $0x9;
	_ =	strace $0x8000004B  }
0xb4: {  	_ =	swait.ge [sflag:s29], $0x1  }
0xb5: {  	[sflag:s29] =	ssyncadd.s32 $0xFFFFFFFF  }
0xb6: {  	_ =	strace $0x9000004B  }
0xb7: {  	_ =	sfence  }
0xb8: {  	s30 =	sld [smem:$0x0];
	_ =	sdelay $0x2  }
0xb9: {  	s31 =	sshll.u32 s1, $0xD;
	s1 =	sshrl.u32 s1, $0x2  }
0xba: {  	s3 =	sand.u32 $0x4000, s31;
	s1 =	sadd.s32 s1, s30  }
0xbb: {  	s0 =	sor.u32 s3, s0;
	s1 =	sshll.u32 s1, $0x11  }
0xbc: {  	s0 =	sor.u32 s1, s0  }
0xbd: {  	s0 =	sadd.s32 $0x8F2B, s0  }
0xbe: {  	[sflag:s0] =	ssyncadd.remote.s32 $0x1  }
0xbf: {  	_ =	sfence.sel $0xFFFF  }
0xc0: {  	[dreg:$0x0] =	wrdreg $0xFFFFFFFF;
	(pc) =	sbr.abs _section_cstart, $3  }
0xc1: {  	[dreg:$0x1] =	wrdreg $0xFFFFFFFF  }
0xc2: {  	_ =	task.clear_ibuf [dreg:s7], $0x2FFFF;
	_ =	strace $0x9FFFFFFF  }
0xc3: {  	(tm) =	ssettm $0x7FFFFFFF  }
tec
execute0_lowered:
.L_overlay_start_1:
0x0: {  	(tag) =	ssettag $0x1  }
0x1: {  	s0 =	rddreg [dreg:$0x0]  }
0x2: {  	s2 =	rddreg [dreg:$0x1]  }
0x3: {  	s1 =	rddreg [dreg:$0x2]  }
0x4: {  	s3 =	simm.s32 $0x0;
	s4 =	srdreg.scid;
	s12 =	stileid.u32  }
0x5: {  	s28 =	simm.s32 $0x3E00;
	s29 =	simm.s32 $0x1;
	s30 =	simm.s32 $0x3  }
0x6: {  	s31 =	simm.s32 $0x2;
	[smem:$0x7FF] =	sst s3;
	s7 =	smul.u32 $0x13C00, s12  }
0x7: {  	s5 =	sand.u32 $0x1, s4;
	s9 =	sadd.s32 $0x5DC00, s2;
	s23 =	smul.u32 $0x4EC00, s12  }
0x8: {  	s4 =	sadd.s32 $0x2000, s2;
	s8 =	sadd.s32 $0x29200, s2;
	s11 =	smul.u32 $0x1860, s12  }
0x9: {  	s25 =	sshll.u32 s12, $0x6;
	s6 =	smul.u32 $0x13C000, s5;
	_ =	strace $0x8000004A  }
0xa: {  	[dreg:$0x6] =	wrdreg s8;
	s22 =	ssub.s32 $0x2, s5;
	p0 =	seq.s32 s5, $0x0  }
0xb: {  	s10 =	sshrl.u32 s22, $0x1;
	s8 =	sshrl.u32 s23, $0x2;
	s5 =	sadd.s32 $0x36600, s11  }
0xc: {  	s6 =	sadd.s32 s7, s6;
	s7 =	smul.u32 $0x3660, s12;
	s8 =	sadd.s32 s8, s1  }
0xd: {  	s24 =	ssub.s32 s22, s10;
	s6 =	sshrl.u32 s6, $0x3;
	[dreg:$0x7] =	wrdreg s8  }
0xe: {  	s8 =	simm.s32 $0x74;
	s2 =	sadd.s32 s6, s2;
	s5 =	smov.u32 @p0 s7  }
0xf: {  	s7 =	sor.u32 $0x1C03, s25;
	s8 =	simm.s32 @!p0 $0x34;
	s26 =	sshrl.u32 s5, $0x3  }
0x10: {  	s15 =	sadd.s32 $0x78, s5;
	s17 =	sshrl.u32 s8, $0x1;
	s18 =	sadd.s32 $0x258, s5  }
0x11: {  	s2 =	sadd.s32 $0x67A00, s2;
	s5 =	sadd.s32 $0x168, s5;
	s14 =	sadd.s32 s0, s26  }
0x12: {  	s16 =	sadd.s32 s9, s26;
	s11 =	sshrl.u32 s15, $0x3;
	s12 =	smul.u32 $0x1E, s17  }
0x13: {  	[dreg:$0xc] =	wrdreg s2;
	s19 =	sshrl.u32 s18, $0x3;
	s21 =	sadd.s32 $0x3C, s26  }
0x14: {  	s10 =	sadd.s32 $0x1E, s26;
	s26 =	sshrl.u32 s5, $0x3;
	[dreg:$0x8] =	wrdreg s14  }
0x15: {  	[dreg:$0x9] =	wrdreg s16;
	s13 =	sadd.s32 s0, s11;
	s11 =	sadd.s32 s9, s11  }
0x16: {  	s14 =	smax.u32 s24, $0x1;
	s20 =	sadd.s32 s19, s9;
	s2 =	sadd.s32 s19, s0  }
0x17: {  	s22 =	sadd.s32 s21, s9;
	s23 =	sadd.s32 s21, s0;
	s24 =	sadd.s32 s10, s9  }
0x18: {  	s25 =	sadd.s32 s10, s0;
	s21 =	sadd.s32 s26, s0;
	[dreg:$0xa] =	wrdreg s13  }
0x19: {  	s0 =	simm.s32 $0x0;
	[dreg:$0xb] =	wrdreg s11;
	s15 =	sadd.s32 $0xFFFFFFE2, s12  }
0x1a: {  	s16 =	sadd.s32 $0xFFFFFFE2, s20;
	s17 =	sadd.s32 $0xFFFFFFE2, s2;
	[dreg:$0x5] =	wrdreg s24  }
0x1b: {  	s18 =	sadd.s32 $0xFFFFFFE2, s22;
	s19 =	sadd.s32 $0xFFFFFFE2, s23;
	[dreg:$0x4] =	wrdreg s25  }
0x1c: {  	s20 =	sadd.s32 s26, s9;
	s22 =	simm.s32 $0x80;
	s23 =	simm.s32 $0x78  }
0x1d: {  	s24 =	simm.s32 $0x100;
	s25 =	simm.s32 $0x3D00;
	s26 =	simm.s32 $0x3D80  }
.LBB2_1:
0x1e: {  	s2 =	rddreg [dreg:$0x7]  }
0x1f: {  	s5 =	rddreg [dreg:$0x6];
	s2 =	sshrl.u32 s2, $0x3  }
0x20: {  	[spmem:s2], [sflag:s7] =	dma.local [hbm:s5], $0x2760  }
0x21: {  	_ =	swait.ge [sflag:s30], $0x2760  }
0x22: {  	[sflag:s30] =	ssyncset.done $0x0  }
0x23: {  	[sflag:s30] =	ssyncadd.s32 $0xFFFFD8A0  }
0x24: {  	[bflag:$0x0] =	sbarrier.arrive $0xFFFF  }
0x25: {  	s10 =	rddreg [dreg:$0x8]  }
0x26: {  	[tilespmem:s3], [sflag:$0x3] =	stream.linear.gather [hbm4b:s10+s3], $0x78, $0x38;
	[tilespmem:$0x1B500] =	vst v63  }
0x27: {  	_ =	swait.ge [sflag:s30], $0x78  }
0x28: {  	[sflag:s30] =	ssyncset.done $0x0  }
0x29: {  	s11 =	rddreg [dreg:$0x9];
	[sflag:s30] =	ssyncadd.s32 $0xFFFFFF88  }
0x2a: {  	[tilespmem:s22], [sflag:$0x3] =	stream.linear.gather [hbm4b:s11+s3], $0x78, $0x38;
	[tilespmem:$0x1B500] =	vst v63  }
0x2b: {  	_ =	swait.ge [sflag:s30], $0x78  }
0x2c: {  	[sflag:s30] =	ssyncset.done $0x0  }
0x2d: {  	[sflag:s30] =	ssyncadd.s32 $0xFFFFFF88  }
0x2e: {  	[tilespmem:s24], [sflag:$0x1] =	stream.indirect.gather [hbm4b:s4+s23], $0x80, s3, s23, $0xb8;
	[tilespmem:$0x1B500] =	vst v63  }
0x2f: {  	s12 =	rddreg [dreg:$0xa]  }
0x30: {  	[tilespmem:s25], [sflag:$0x3] =	stream.linear.gather [hbm4b:s12+s3], $0x78, $0x38;
	[tilespmem:$0x1B500] =	vst v63  }
0x31: {  	_ =	swait.ge [sflag:s30], $0x78  }
0x32: {  	[sflag:s30] =	ssyncset.done $0x0  }
0x33: {  	s13 =	rddreg [dreg:$0xb];
	[sflag:s30] =	ssyncadd.s32 $0xFFFFFF88  }
0x34: {  	[tilespmem:s26], [sflag:$0x3] =	stream.linear.gather [hbm4b:s13+s3], $0x78, $0x38;
	[tilespmem:$0x1B500] =	vst v63  }
0x35: {  	_ =	swait.ge [sflag:s30], $0x78  }
0x36: {  	[sflag:s30] =	ssyncset.done $0x0  }
0x37: {  	[sflag:s30] =	ssyncadd.s32 $0xFFFFFF88  }
0x38: {  	[tilespmem:s28], [sflag:$0x2] =	stream.indirect.gather [hbm4b:s4+s23], $0x80, s25, s23, $0xb8;
	[tilespmem:$0x1B500] =	vst v63  }
0x39: {  	_ =	swait.ge [sflag:s29], $0x3C00  }
0x3a: {  	[sflag:s29] =	ssyncset.done $0x0  }
0x3b: {  	[sflag:s29] =	ssyncadd.s32 $0xFFFFC400  }
0x3c: {  	[spmem:s1] =	stream.indirect.scatter.add.f32 [tilespmem:s24], [sflag:$0x3], $0x80, s22, s23, $0xb8;
	[tilespmem:$0x1B500] =	vst v63  }
0x3d: {  	p0 =	sle.u32 s8, $0x2;
	_ =	swait.ge [sflag:s30], $0x3C00  }
0x3e: {  	s6 =	simm.s32 @!p0 $0x0;
	s5 =	rddreg [dreg:$0x4];
	[sflag:s30] =	ssyncset.done $0x0  }
0x3f: {  	s9 =	simm.s32 @!p0 $0x3;
	[sflag:s30] =	ssyncadd.s32 $0xFFFFC400;
	s5 =	sadd.s32 @!p0 $0x0, s5  }
0x40: {  	[tilespmem:s6], [sflag:$0x3] =	stream.linear.gather @!p0 [hbm4b:s5+s6], $0x78, $0x38;
	[tilespmem:$0x1B500] =	vst v63  }
0x41: {  	_ =	swait.ge @!p0 [sflag:s9], $0x78  }
0x42: {  	s5 =	rddreg [dreg:$0x5];
	[sflag:s9] =	ssyncset.done @!p0 $0x0  }
0x43: {  	s10 =	simm.s32 @!p0 $0x80;
	[sflag:s9] =	ssyncadd.s32 @!p0 $0xFFFFFF88;
	s5 =	sadd.s32 @!p0 $0x0, s5  }
0x44: {  	[tilespmem:s10], [sflag:$0x3] =	stream.linear.gather @!p0 [hbm4b:s5+s6], $0x78, $0x38;
	[tilespmem:$0x1B500] =	vst v63  }
0x45: {  	_ =	swait.ge @!p0 [sflag:s9], $0x78  }
0x46: {  	[sflag:s9] =	ssyncset.done @!p0 $0x0  }
0x47: {  	s5 =	simm.s32 @!p0 $0x78;
	s10 =	simm.s32 @!p0 $0x100;
	[sflag:s9] =	ssyncadd.s32 @!p0 $0xFFFFFF88  }
0x48: {  	[tilespmem:s10], [sflag:$0x1] =	stream.indirect.gather @!p0 [hbm4b:s4+s5], $0x80, s6, s5, $0xb8;
	[tilespmem:$0x1B500] =	vst v63  }
0x49: {  	_ =	swait.ge [sflag:s31], $0x3C00  }
0x4a: {  	[sflag:s31] =	ssyncset.done $0x0  }
0x4b: {  	[sflag:s31] =	ssyncadd.s32 $0xFFFFC400  }
0x4c: {  	[spmem:s1] =	stream.indirect.scatter.add.f32 [tilespmem:s28], [sflag:$0x3], $0x80, s26, s23, $0xb8;
	[tilespmem:$0x1B500] =	vst v63  }
0x4d: {  	p1 =	sle.u32 s8, $0x3;
	_ =	swait.ge [sflag:s30], $0x3C00  }
0x4e: {  	s11 =	simm.s32 @!p1 $0x3;
	s5 =	sadd.s32 @!p1 $0x0, s21;
	[sflag:s30] =	ssyncset.done $0x0  }
0x4f: {  	s10 =	simm.s32 @!p1 $0x3D00;
	s6 =	simm.s32 @!p1 $0x0;
	[sflag:s30] =	ssyncadd.s32 $0xFFFFC400  }
0x50: {  	[tilespmem:s10], [sflag:$0x3] =	stream.linear.gather @!p1 [hbm4b:s5+s6], $0x78, $0x38;
	[tilespmem:$0x1B500] =	vst v63  }
0x51: {  	p0 =	sne.s32 s15, $0x1E;
	_ =	swait.ge @!p1 [sflag:s11], $0x78  }
.Ltmp0:
0x52: {  	[sflag:s11] =	ssyncset.done @!p1 $0x0;
	(pc) =	sbr.rel @!p0 .LBB2_3-.Ltmp0, $4  }
0x53: {  	s9 =	sadd.s32 @!p1 $0x0, s20;
	s5 =	simm.s32 @!p1 $0x3D80;
	[sflag:s11] =	ssyncadd.s32 @!p1 $0xFFFFFF88  }
0x54: {  	[tilespmem:s5], [sflag:$0x3] =	stream.linear.gather @!p1 [hbm4b:s9+s6], $0x78, $0x38;
	[tilespmem:$0x1B500] =	vst v63  }
0x55: {  	s12 =	simm.s32 @!p1 $0x78;
	s13 =	simm.s32 @!p1 $0x3E00;
	_ =	swait.ge @!p1 [sflag:s11], $0x78  }
0x56: {  	s5 =	simm.s32 $0x1E;
	s6 =	simm.s32 $0x3;
	[sflag:s11] =	ssyncset.done @!p1 $0x0  }
.LBB2_2:
0x57: {  	[sflag:s11] =	ssyncadd.s32 @!p1 $0xFFFFFF88  }
0x58: {  	[tilespmem:s13], [sflag:$0x2] =	stream.indirect.gather @!p1 [hbm4b:s4+s12], $0x80, s10, s12, $0xb8;
	[tilespmem:$0x1B500] =	vst v63  }
0x59: {  	_ =	swait.ge [sflag:s29], $0x3C00  }
0x5a: {  	s6 =	sadd.s32 $0x2, s6;
	[sflag:s29] =	ssyncset.done $0x0  }
0x5b: {  	s13 =	sadd.s32 $0xFFFFFFFF, s6;
	[sflag:s29] =	ssyncadd.s32 $0xFFFFC400  }
0x5c: {  	[spmem:s1] =	stream.indirect.scatter.add.f32 [tilespmem:s24], [sflag:$0x3], $0x80, s22, s23, $0xb8;
	[tilespmem:$0x1B500] =	vst v63  }
0x5d: {  	s9 =	smov.u32 s5;
	p1 =	sge.u32 s13, s8;
	_ =	swait.ge [sflag:s30], $0x3C00  }
0x5e: {  	s10 =	simm.s32 @!p1 $0x0;
	s11 =	rddreg [dreg:$0x4];
	[sflag:s30] =	ssyncset.done $0x0  }
0x5f: {  	s12 =	simm.s32 @!p1 $0x3;
	[sflag:s30] =	ssyncadd.s32 $0xFFFFC400;
	s11 =	sadd.s32 @!p1 s9, s11  }
0x60: {  	[tilespmem:s10], [sflag:$0x3] =	stream.linear.gather @!p1 [hbm4b:s11+s10], $0x78, $0x38;
	[tilespmem:$0x1B500] =	vst v63  }
0x61: {  	_ =	swait.ge @!p1 [sflag:s12], $0x78  }
0x62: {  	[sflag:s12] =	ssyncset.done @!p1 $0x0;
	s11 =	rddreg [dreg:$0x5]  }
0x63: {  	s13 =	simm.s32 @!p1 $0x80;
	[sflag:s12] =	ssyncadd.s32 @!p1 $0xFFFFFF88;
	s11 =	sadd.s32 @!p1 s9, s11  }
0x64: {  	[tilespmem:s13], [sflag:$0x3] =	stream.linear.gather @!p1 [hbm4b:s11+s10], $0x78, $0x38;
	[tilespmem:$0x1B500] =	vst v63  }
0x65: {  	_ =	swait.ge @!p1 [sflag:s12], $0x78  }
0x66: {  	[sflag:s12] =	ssyncset.done @!p1 $0x0  }
0x67: {  	s11 =	simm.s32 @!p1 $0x78;
	s13 =	simm.s32 @!p1 $0x100;
	[sflag:s12] =	ssyncadd.s32 @!p1 $0xFFFFFF88  }
0x68: {  	[tilespmem:s13], [sflag:$0x1] =	stream.indirect.gather @!p1 [hbm4b:s4+s11], $0x80, s10, s11, $0xb8;
	[tilespmem:$0x1B500] =	vst v63  }
0x69: {  	_ =	swait.ge [sflag:s31], $0x3C00  }
0x6a: {  	[sflag:s31] =	ssyncset.done $0x0  }
0x6b: {  	[sflag:s31] =	ssyncadd.s32 $0xFFFFC400  }
0x6c: {  	[spmem:s1] =	stream.indirect.scatter.add.f32 [tilespmem:s28], [sflag:$0x3], $0x80, s26, s23, $0xb8;
	[tilespmem:$0x1B500] =	vst v63  }
0x6d: {  	s5 =	sadd.s32 $0x1E, s5;
	p1 =	sge.u32 s6, s8;
	_ =	swait.ge [sflag:s30], $0x3C00  }
0x6e: {  	s12 =	sadd.s32 @!p1 s9, s21;
	s10 =	simm.s32 @!p1 $0x3D00;
	[sflag:s30] =	ssyncset.done $0x0  }
0x6f: {  	s13 =	simm.s32 @!p1 $0x0;
	s11 =	simm.s32 @!p1 $0x3;
	[sflag:s30] =	ssyncadd.s32 $0xFFFFC400  }
0x70: {  	[tilespmem:s10], [sflag:$0x3] =	stream.linear.gather @!p1 [hbm4b:s12+s13], $0x78, $0x38;
	[tilespmem:$0x1B500] =	vst v63  }
0x71: {  	p0 =	sne.s32 s15, s5;
	_ =	swait.ge @!p1 [sflag:s11], $0x78  }
.Ltmp1:
0x72: {  	[sflag:s11] =	ssyncset.done @!p1 $0x0;
	(pc) =	sbr.rel @p0 .LBB2_2-.Ltmp1, $4  }
0x73: {  	s9 =	sadd.s32 @!p1 s9, s20;
	s12 =	simm.s32 @!p1 $0x3D80;
	[sflag:s11] =	ssyncadd.s32 @!p1 $0xFFFFFF88  }
0x74: {  	[tilespmem:s12], [sflag:$0x3] =	stream.linear.gather @!p1 [hbm4b:s9+s13], $0x78, $0x38;
	[tilespmem:$0x1B500] =	vst v63  }
0x75: {  	_ =	swait.ge @!p1 [sflag:s11], $0x78  }
0x76: {  	s12 =	simm.s32 @!p1 $0x78;
	s13 =	simm.s32 @!p1 $0x3E00;
	[sflag:s11] =	ssyncset.done @!p1 $0x0  }
.LBB2_3:
0x77: {  	[sflag:s11] =	ssyncadd.s32 @!p1 $0xFFFFFF88  }
0x78: {  	[tilespmem:s13], [sflag:$0x2] =	stream.indirect.gather @!p1 [hbm4b:s4+s12], $0x80, s10, s12, $0xb8;
	[tilespmem:$0x1B500] =	vst v63  }
0x79: {  	_ =	swait.ge [sflag:s29], $0x3C00  }
0x7a: {  	[sflag:s29] =	ssyncset.done $0x0  }
0x7b: {  	s6 =	sadd.s32 $0x2, s6;
	[sflag:s29] =	ssyncadd.s32 $0xFFFFC400  }
0x7c: {  	[spmem:s1] =	stream.indirect.scatter.add.f32 [tilespmem:s24], [sflag:$0x3], $0x80, s22, s23, $0xb8;
	[tilespmem:$0x1B500] =	vst v63  }
0x7d: {  	s9 =	sadd.s32 $0xFFFFFFFF, s6;
	_ =	swait.ge [sflag:s30], $0x3C00  }
0x7e: {  	p0 =	sge.u32 s9, s8;
	[sflag:s30] =	ssyncset.done $0x0  }
0x7f: {  	s9 =	sadd.s32 @!p0 s5, s19;
	s10 =	simm.s32 @!p0 $0x0;
	[sflag:s30] =	ssyncadd.s32 $0xFFFFC400  }
0x80: {  	[tilespmem:s10], [sflag:$0x3] =	stream.linear.gather @!p0 [hbm4b:s9+s10], $0x78, $0x38;
	[tilespmem:$0x1B500] =	vst v63  }
0x81: {  	s9 =	simm.s32 @!p0 $0x3  }
0x82: {  	_ =	swait.ge @!p0 [sflag:s9], $0x78  }
0x83: {  	[sflag:s9] =	ssyncset.done @!p0 $0x0  }
0x84: {  	s11 =	sadd.s32 @!p0 s5, s18;
	s12 =	simm.s32 @!p0 $0x80;
	[sflag:s9] =	ssyncadd.s32 @!p0 $0xFFFFFF88  }
0x85: {  	[tilespmem:s12], [sflag:$0x3] =	stream.linear.gather @!p0 [hbm4b:s11+s10], $0x78, $0x38;
	[tilespmem:$0x1B500] =	vst v63  }
0x86: {  	_ =	swait.ge @!p0 [sflag:s9], $0x78  }
0x87: {  	[sflag:s9] =	ssyncset.done @!p0 $0x0  }
0x88: {  	s11 =	simm.s32 @!p0 $0x100;
	[sflag:s9] =	ssyncadd.s32 @!p0 $0xFFFFFF88;
	s9 =	simm.s32 @!p0 $0x78  }
0x89: {  	[tilespmem:s11], [sflag:$0x1] =	stream.indirect.gather @!p0 [hbm4b:s4+s9], $0x80, s10, s9, $0xb8;
	[tilespmem:$0x1B500] =	vst v63  }
0x8a: {  	_ =	swait.ge [sflag:s31], $0x3C00  }
0x8b: {  	[sflag:s31] =	ssyncset.done $0x0  }
0x8c: {  	[sflag:s31] =	ssyncadd.s32 $0xFFFFC400  }
0x8d: {  	[spmem:s1] =	stream.indirect.scatter.add.f32 [tilespmem:s28], [sflag:$0x3], $0x80, s26, s23, $0xb8;
	[tilespmem:$0x1B500] =	vst v63  }
0x8e: {  	p0 =	sge.u32 s6, s8;
	_ =	swait.ge [sflag:s30], $0x3C00  }
0x8f: {  	s6 =	sadd.s32 @!p0 s5, s17;
	[sflag:s30] =	ssyncset.done $0x0  }
0x90: {  	s9 =	simm.s32 @!p0 $0x0;
	s10 =	simm.s32 @!p0 $0x3D00;
	[sflag:s30] =	ssyncadd.s32 $0xFFFFC400  }
0x91: {  	[tilespmem:s10], [sflag:$0x3] =	stream.linear.gather @!p0 [hbm4b:s6+s9], $0x78, $0x38;
	[tilespmem:$0x1B500] =	vst v63  }
0x92: {  	s6 =	simm.s32 @!p0 $0x3  }
0x93: {  	_ =	swait.ge @!p0 [sflag:s6], $0x78  }
0x94: {  	[sflag:s6] =	ssyncset.done @!p0 $0x0  }
0x95: {  	s5 =	sadd.s32 @!p0 s5, s16;
	s11 =	simm.s32 @!p0 $0x3D80;
	[sflag:s6] =	ssyncadd.s32 @!p0 $0xFFFFFF88  }
0x96: {  	[tilespmem:s11], [sflag:$0x3] =	stream.linear.gather @!p0 [hbm4b:s5+s9], $0x78, $0x38;
	[tilespmem:$0x1B500] =	vst v63  }
0x97: {  	_ =	swait.ge @!p0 [sflag:s6], $0x78  }
0x98: {  	s0 =	sadd.s32 $0x1, s0;
	[sflag:s6] =	ssyncset.done @!p0 $0x0  }
0x99: {  	s5 =	simm.s32 @!p0 $0x78;
	[sflag:s6] =	ssyncadd.s32 @!p0 $0xFFFFFF88;
	s6 =	simm.s32 @!p0 $0x3E00  }
0x9a: {  	[tilespmem:s6], [sflag:$0x2] =	stream.indirect.gather @!p0 [hbm4b:s4+s5], $0x80, s10, s5, $0xb8;
	[tilespmem:$0x1B500] =	vst v63  }
0x9b: {  	p0 =	sne.s32 s0, s14;
	[bflag:$0x0] =	sbarrier.arrive $0xFFFF  }
.Ltmp2:
0x9c: {  	s13 =	rddreg [dreg:$0xc];
	(pc) =	sbr.rel @p0 .LBB2_1-.Ltmp2, $4  }
0x9d: {  	[hbm:s13], [sflag:s7] =	dma.local [spmem:s2], $0x2760  }
0x9e: {  	_ =	swait.ge [sflag:s30], $0x2760  }
0x9f: {  	[sflag:s30] =	ssyncset.done $0x0  }
0xa0: {  	[sflag:s30] =	ssyncadd.s32 $0xFFFFD8A0  }
0xa1: {  	_ =	sfence.sel $0x180000  }
0xa2: {  	[bflag:$0x0] =	sbarrier.arrive $0xFFFF  }
0xa3: {  	_ =	strace $0x9000004A  }
0xa4: {  	s0 =	stileid.u32;
	[bflag:$0x2] =	sbarrier.arrive $0xFFFF  }
0xa5: {  	p0 =	sne.s32 s0, $0x0;
	s0 =	rddreg [dreg:$0x3]  }
0xa6: {  	s0 =	sadd.s32 @!p0 $0x100000, s0  }
0xa7: {  	[sflag:s0] =	ssyncadd.tile.s32 @!p0 $0x1;
	_ =	shalt  }
.Lfunc_end2:
_tile_overlayer_lowered:
.L_overlay_start_2:
0xa8: {  	(tag) =	ssettag $0x2  }
0xa9: {  	s0 =	rddreg [dreg:$0x0];
	s2 =	stileid.u32  }
0xaa: {  	s1 =	rddreg [dreg:$0x1];
	p0 =	sne.s32 s2, $0x0  }
0xab: {  	s3 =	rddreg [dreg:$0x2];
	[bflag:$0x3] =	sbarrier.arrive $0xFFFF;
	s2 =	simm.s32 @!p0 $0x1C03  }
0xac: {  	[timem:s3], [sflag:s2] =	dma.local @!p0 [hbm:s0], s1  }
0xad: {  	s0 =	simm.s32 @!p0 $0x3  }
0xae: {  	_ =	swait.ge @!p0 [sflag:s0], s1  }
0xaf: {  	s1 =	ssub.s32 @!p0 $0x0, s1;
	[sflag:s0] =	ssyncset.done @!p0 $0x0  }
0xb0: {  	[sflag:s0] =	ssyncadd.s32 @!p0 s1  }
0xb1: {  	[bflag:$0x3] =	sbarrier.arrive $0xFFFF  }
0xb2: {  	_ =	shalt  }

// kernel: kernel.15.cloned.1.call-start
scs
__scs_entry_jumppad:
0x0: {  	(pc) =	sbr.rel $0x88, $3  }
0x1: {  	(tag) =	ssettag $0x0;
	lr =	simm.s32 $0x1  }
0x2: {  	[smem:$0x3F9B] =	sst lr;
	_ =	strace $0xD0000000  }
0x3: {  	_ = 	snop  }
0x4: {  	_ = 	snop  }
0x5: {  	_ = 	snop  }
0x6: {  	_ = 	snop  }
0x7: {  	_ = 	snop  }
__scs_overlays_trampoline_lowered:
0x8: {  	[smem:$0x3FAA] =	sst s0  }
0x9: {  	[smem:$0x3FAB] =	sst s1  }
0xa: {  	[smem:$0x3FAC] =	sst s2  }
0xb: {  	[smem:$0x3FAD] =	sst s3  }
0xc: {  	[smem:$0x3FAE] =	sst s4  }
0xd: {  	[smem:$0x3FAF] =	sst s5  }
0xe: {  	[smem:$0x3FB0] =	sst s6  }
0xf: {  	[smem:$0x3FB1] =	sst s7  }
0x10: {  	[smem:$0x3FB2] =	sst s8  }
0x11: {  	[smem:$0x3FB3] =	sst s9;
	s0 =	simm.s32 @!p0 $0x0  }
0x12: {  	s1 =	sld [smem:$0x3F99];
	s0 =	simm.s32 @p0 $0x1  }
0x13: {  	[smem:$0x3FB4] =	sst s0;
	s0 =	simm.s32 @!p1 $0x0  }
0x14: {  	s2 =	sld [smem:$0x3F98];
	s0 =	simm.s32 @p1 $0x1  }
0x15: {  	[smem:$0x3FB5] =	sst s0;
	s0 =	simm.s32 @!p2 $0x0  }
0x16: {  	s3 =	sld [smem:$0x3FDB];
	s0 =	simm.s32 @p2 $0x1  }
0x17: {  	s4 =	simm.s32 $0x1BF5;
	[smem:$0x3FB7] =	sst s0  }
0x18: {  	s0 =	sld [smem:$0x3F9A];
	_ =	swait.ge [sflag:s4], $0x0  }
0x19: {  	s7 =	sld [smem:$0x3F9B]  }
0x1a: {  	s8 =	sadd.s32 $0xFFFFE003, lr  }
0x1b: {  	s9 =	sadd.s32 $0xFFFFFEF7, lr;
	s5 =	simm.s32 $0xFFFFFFFF;
	p2 =	slt.u32 s8, $0xFFFFF086  }
0x1c: {  	p1 =	slt.u32 s9, $0xF7A;
	s5 =	simm.s32 @!p2 $0x0  }
0x1d: {  	s5 =	simm.s32 @p1 $0x1;
	p0 =	seq.s32 s7, s2  }
0x1e: {  	s7 =	smul.u32 @!p0 $0xF7A, s2;
	p2 =	seq.s32 @!p0 s5, $0x0  }
0x1f: {  	s9 =	smul.u32 $0xF7A, s1;
	s8 =	simm.s32 @!p0 $0x1BF5;
	p2 =	por !p2, p0  }
0x20: {  	[sflag:s8] =	ssyncset.s32 @!p0 $0xFFFFF086;
	s6 =	sadd.s32 @!p0 s3, s7;
	s7 =	simm.s32 @!p0 $0x108  }
0x21: {  	s3 =	sadd.s32 s3, s9;
	s6 =	sadd.s32 @!p0 $0x88, s6;
	s7 =	simm.s32 @p2 $0x1082  }
0x22: {  	[simem:s7], [sflag:s8] =	dma.local @!p0 [hbm:s6], $0xF7A  }
0x23: {  	s9 =	sor.u32 $0xD0000000, s2;
	s6 =	simm.s32 $0x108;
	_ =	swait.ge @!p0 [sflag:s8], $0x0  }
0x24: {  	s3 =	sadd.s32 $0x88, s3;
	s6 =	simm.s32 @!p1 $0x1082;
	[sflag:s4] =	ssyncset.s32 $0xFFFFF086  }
0x25: {  	[simem:s6], [sflag:s4] =	dma.local [hbm:s3], $0xF7A  }
0x26: {  	[smem:$0x3F9B] =	sst s1;
	(tag) =	ssettag s2;
	_ =	strace s9  }
0x27: {  	s1 =	sld [smem:$0x3FAB]  }
0x28: {  	s2 =	sld [smem:$0x3FAC]  }
0x29: {  	s4 =	sld [smem:$0x3FAE]  }
0x2a: {  	p0 =	seq.s32 s5, $0x0;
	s5 =	sld [smem:$0x3FAF]  }
0x2b: {  	s6 =	sld [smem:$0x3FB0]  }
0x2c: {  	s7 =	sld [smem:$0x3FB1]  }
0x2d: {  	s3 =	simm.s32 $0x108;
	s8 =	sld [smem:$0x3FB2]  }
0x2e: {  	s3 =	simm.s32 @!p0 $0x1082;
	s9 =	sld [smem:$0x3FB3]  }
0x2f: {  	lr =	sadd.s32 s0, s3;
	s0 =	sld [smem:$0x3FAA]  }
0x30: {  	s3 =	sld [smem:$0x3FAD]  }
0x31: {  	[smem:$0x3FB6] =	sst s10  }
0x32: {  	s10 =	sld [smem:$0x3FB4];
	_ =	sdelay $0x3  }
0x33: {  	p0 =	seq.s32 s10, $0x1;
	s10 =	sld [smem:$0x3FB6];
	_ =	sdelay $0x3  }
0x34: {  	[smem:$0x3FB6] =	sst s10  }
0x35: {  	s10 =	sld [smem:$0x3FB5];
	_ =	sdelay $0x3  }
0x36: {  	p1 =	seq.s32 s10, $0x1;
	s10 =	sld [smem:$0x3FB6];
	_ =	sdelay $0x3  }
0x37: {  	[smem:$0x3FB6] =	sst s10  }
0x38: {  	s10 =	sld [smem:$0x3FB7]  }
0x39: {  	_ = 	snop;
	(pc) =	sbr.ind lr, $3  }
0x3a: {  	_ = 	snop  }
0x3b: {  	_ = 	snop  }
0x3c: {  	p2 =	seq.s32 s10, $0x1;
	s10 =	sld [smem:$0x3FB6]  }
0x3d: {  	_ =	shalt  }
0x3e: {  	_ =	shalt  }
0x3f: {  	_ =	shalt  }
0x40: {  	_ =	shalt  }
0x41: {  	_ =	shalt  }
0x42: {  	_ =	shalt  }
0x43: {  	_ =	shalt  }
0x44: {  	_ =	shalt  }
0x45: {  	_ =	shalt  }
0x46: {  	_ =	shalt  }
0x47: {  	_ =	shalt  }
0x48: {  	_ =	shalt  }
0x49: {  	_ =	shalt  }
0x4a: {  	_ =	shalt  }
0x4b: {  	_ =	shalt  }
0x4c: {  	_ =	shalt  }
0x4d: {  	_ =	shalt  }
0x4e: {  	_ =	shalt  }
0x4f: {  	_ =	shalt  }
0x50: {  	_ =	shalt  }
0x51: {  	_ =	shalt  }
0x52: {  	_ =	shalt  }
0x53: {  	_ =	shalt  }
0x54: {  	_ =	shalt  }
0x55: {  	_ =	shalt  }
0x56: {  	_ =	shalt  }
0x57: {  	_ =	shalt  }
0x58: {  	_ =	shalt  }
0x59: {  	_ =	shalt  }
0x5a: {  	_ =	shalt  }
0x5b: {  	_ =	shalt  }
0x5c: {  	_ =	shalt  }
0x5d: {  	_ =	shalt  }
0x5e: {  	_ =	shalt  }
0x5f: {  	_ =	shalt  }
0x60: {  	_ =	shalt  }
0x61: {  	_ =	shalt  }
0x62: {  	_ =	shalt  }
0x63: {  	_ =	shalt  }
0x64: {  	_ =	shalt  }
0x65: {  	_ =	shalt  }
0x66: {  	_ =	shalt  }
0x67: {  	_ =	shalt  }
0x68: {  	_ =	shalt  }
0x69: {  	_ =	shalt  }
0x6a: {  	_ =	shalt  }
0x6b: {  	_ =	shalt  }
0x6c: {  	_ =	shalt  }
0x6d: {  	_ =	shalt  }
0x6e: {  	_ =	shalt  }
0x6f: {  	_ =	shalt  }
0x70: {  	_ =	shalt  }
0x71: {  	_ =	shalt  }
0x72: {  	_ =	shalt  }
0x73: {  	_ =	shalt  }
0x74: {  	_ =	shalt  }
0x75: {  	_ =	shalt  }
0x76: {  	_ =	shalt  }
0x77: {  	_ =	shalt  }
0x78: {  	_ =	shalt  }
0x79: {  	_ =	shalt  }
0x7a: {  	_ =	shalt  }
0x7b: {  	_ =	shalt  }
0x7c: {  	_ =	shalt  }
0x7d: {  	_ =	shalt  }
0x7e: {  	_ =	shalt  }
0x7f: {  	_ =	shalt  }
0x80: {  	_ =	shalt  }
0x81: {  	_ =	shalt  }
0x82: {  	_ =	shalt  }
0x83: {  	_ =	shalt  }
0x84: {  	_ =	shalt  }
0x85: {  	_ =	shalt  }
0x86: {  	_ =	shalt  }
0x87: {  	_ =	shalt  }
.Lfunc_end0:
.L_simem_size_0:
called_computation.2_lowered:
.L_overlay_start_0:
0x88: {  	s2 =	sld [smem:$0x3FD9]  }
0x89: {  	s3 =	sld [smem:$0x3FFE];
	_ =	sdelay $0x1  }
0x8a: {  	s1 =	srdreg.scid  }
0x8b: {  	s0 =	sand.u32 $0x1, s1  }
0x8c: {  	s17 =	sshll.u32 s0, $0xA;
	s2 =	sadd.s32 s3, s2  }
0x8d: {  	s2 =	sadd.s32 s2, s17  }
0x8e: {  	[smem:$0x3FC2] =	sst s2  }
0x8f: {  	_ = 	snop  }
0x90: {  	s2 =	sld [smem:$0x3FD0];
	(tm) =	ssettm $0x1  }
0x91: {  	s18 =	sld [smem:$0x3FFB];
	_ =	sdelay $0x3  }
0x92: {  	_ =	strace s18  }
0x93: {  	s3 =	sld [smem:$0x3FFC];
	_ =	sdelay $0x3  }
0x94: {  	_ =	strace s3  }
0x95: {  	s3 =	sld [smem:$0x3FFD];
	_ =	sdelay $0x3  }
0x96: {  	_ =	strace s3  }
0x97: {  	_ =	strace $0x8FFFFFFF  }
0x98: {  	s19 =	sld [smem:$0x3FDB];
	_ =	sdelay $0x1  }
0x99: {  	s4 =	simm.s32 $_scs_section_size  }
0x9a: {  	s5 =	simm.s32 $_size__tile_overlayer_lowered;
	s6 =	simm.s32 $_tile_overlayer_lowered  }
0x9b: {  	s22 =	simm.s32 $0x1BFF;
	s21 =	sshll.u32 s6, $0x1;
	s3 =	sadd.s32 s4, s19  }
0x9c: {  	s7 =	simm.s32 $0x0;
	s20 =	sshll.u32 s5, $0x1;
	s5 =	sadd.s32 s21, s3  }
0x9d: {  	[timem:s7], [sflag:s22] =	dma.local [hbm:s5], s20  }
0x9e: {  	_ =	swait.ge [sflag:s22], s20  }
0x9f: {  	s4 =	ssub.s32 $0x0, s20;
	[sflag:s22] =	ssyncset.done $0x0  }
0xa0: {  	[sflag:s22] =	ssyncadd.s32 s4;
	_ =	sdelay $0x1  }
0xa1: {  	s23 =	simm.s32 $0x1B8B  }
0xa2: {  	_ =	swait.ge [sflag:s23], $0x1  }
0xa3: {  	[sflag:s23] =	ssyncset.done $0x0  }
0xa4: {  	s25 =	simm.s32 $0x1B8E;
	s24 =	sld [smem:$0x3FFE];
	[sflag:s23] =	ssyncadd.s32 $0xFFFFFFFF  }
0xa5: {  	s26 =	simm.s32 $execute0_lowered;
	[smem:$0x3FD2] =	sst s25  }
0xa6: {  	s5 =	sshll.u32 s26, $0x1;
	_ =	strace $0x8000004C;
	[dreg:$0x1] =	wrdreg $0xFFFFFFFF  }
0xa7: {  	s28 =	simm.s32 $_size_execute0_lowered;
	s3 =	sadd.s32 s3, s5;
	[dreg:$0x0] =	wrdreg $0x0  }
0xa8: {  	s5 =	sshll.u32 s28, $0x1;
	[dreg:$0x2] =	wrdreg s3  }
0xa9: {  	[dreg:$0x3] =	wrdreg s5  }
0xaa: {  	[dreg:$0x4] =	wrdreg $0xC0  }
0xab: {  	_ =	task [dreg:s7], $0x5FFFF  }
0xac: {  	[dreg:$0x1] =	wrdreg $0xFFFFFFFF  }
0xad: {  	[dreg:$0x0] =	wrdreg $0x60  }
0xae: {  	[dreg:$0x2] =	wrdreg s2  }
0xaf: {  	[dreg:$0x3] =	wrdreg s24  }
0xb0: {  	[dreg:$0x4] =	wrdreg $0x7A000  }
0xb1: {  	[dreg:$0x5] =	wrdreg $0x9  }
0xb2: {  	_ =	task.clear_ibuf [dreg:s7], $0x6FFFF;
	_ =	strace $0x9000004C  }
0xb3: {  	s29 =	simm.s32 $0x9;
	_ =	strace $0x8000004E  }
0xb4: {  	_ =	swait.ge [sflag:s29], $0x1  }
0xb5: {  	[sflag:s29] =	ssyncadd.s32 $0xFFFFFFFF  }
0xb6: {  	_ =	strace $0x9000004E  }
0xb7: {  	_ =	sfence  }
0xb8: {  	s30 =	sld [smem:$0x0];
	_ =	sdelay $0x2  }
0xb9: {  	s31 =	sshll.u32 s1, $0xD;
	s1 =	sshrl.u32 s1, $0x2  }
0xba: {  	s3 =	sand.u32 $0x4000, s31;
	s1 =	sadd.s32 s1, s30  }
0xbb: {  	s0 =	sor.u32 s3, s0;
	s1 =	sshll.u32 s1, $0x11  }
0xbc: {  	s0 =	sor.u32 s1, s0  }
0xbd: {  	s0 =	sadd.s32 $0x8F2B, s0  }
0xbe: {  	[sflag:s0] =	ssyncadd.remote.s32 $0x1  }
0xbf: {  	_ =	sfence.sel $0xFFFF  }
0xc0: {  	[dreg:$0x0] =	wrdreg $0xFFFFFFFF;
	(pc) =	sbr.abs _section_cstart, $3  }
0xc1: {  	[dreg:$0x1] =	wrdreg $0xFFFFFFFF  }
0xc2: {  	_ =	task.clear_ibuf [dreg:s7], $0x2FFFF;
	_ =	strace $0x9FFFFFFF  }
0xc3: {  	(tm) =	ssettm $0x7FFFFFFF  }
tec
execute0_lowered:
.L_overlay_start_1:
0x0: {  	(tag) =	ssettag $0x1  }
0x1: {  	s0 =	rddreg [dreg:$0x0]  }
0x2: {  	s2 =	rddreg [dreg:$0x1]  }
0x3: {  	s1 =	rddreg [dreg:$0x2]  }
0x4: {  	s3 =	simm.s32 $0x0;
	s4 =	srdreg.scid;
	s12 =	stileid.u32  }
0x5: {  	s28 =	simm.s32 $0x3E00;
	s29 =	simm.s32 $0x1;
	s30 =	simm.s32 $0x3  }
0x6: {  	s31 =	simm.s32 $0x2;
	[smem:$0x7FF] =	sst s3;
	s7 =	smul.u32 $0x13C00, s12  }
0x7: {  	s5 =	sand.u32 $0x1, s4;
	s9 =	sadd.s32 $0x5DC00, s2;
	s23 =	smul.u32 $0x4EC00, s12  }
0x8: {  	s4 =	sadd.s32 $0x2000, s2;
	s8 =	sadd.s32 $0x29200, s2;
	s11 =	smul.u32 $0x1860, s12  }
0x9: {  	s25 =	sshll.u32 s12, $0x6;
	s6 =	smul.u32 $0x13C000, s5;
	_ =	strace $0x8000004D  }
0xa: {  	[dreg:$0x6] =	wrdreg s8;
	s22 =	ssub.s32 $0x2, s5;
	p0 =	seq.s32 s5, $0x0  }
0xb: {  	s10 =	sshrl.u32 s22, $0x1;
	s8 =	sshrl.u32 s23, $0x2;
	s5 =	sadd.s32 $0x36600, s11  }
0xc: {  	s6 =	sadd.s32 s7, s6;
	s7 =	smul.u32 $0x3660, s12;
	s8 =	sadd.s32 s8, s1  }
0xd: {  	s24 =	ssub.s32 s22, s10;
	s6 =	sshrl.u32 s6, $0x3;
	[dreg:$0x7] =	wrdreg s8  }
0xe: {  	s8 =	simm.s32 $0x74;
	s2 =	sadd.s32 s6, s2;
	s5 =	smov.u32 @p0 s7  }
0xf: {  	s7 =	sor.u32 $0x1C03, s25;
	s8 =	simm.s32 @!p0 $0x34;
	s26 =	sshrl.u32 s5, $0x3  }
0x10: {  	s15 =	sadd.s32 $0x78, s5;
	s17 =	sshrl.u32 s8, $0x1;
	s18 =	sadd.s32 $0x258, s5  }
0x11: {  	s2 =	sadd.s32 $0x67A00, s2;
	s5 =	sadd.s32 $0x168, s5;
	s14 =	sadd.s32 s0, s26  }
0x12: {  	s16 =	sadd.s32 s9, s26;
	s11 =	sshrl.u32 s15, $0x3;
	s12 =	smul.u32 $0x1E, s17  }
0x13: {  	[dreg:$0xc] =	wrdreg s2;
	s19 =	sshrl.u32 s18, $0x3;
	s21 =	sadd.s32 $0x3C, s26  }
0x14: {  	s10 =	sadd.s32 $0x1E, s26;
	s26 =	sshrl.u32 s5, $0x3;
	[dreg:$0x8] =	wrdreg s14  }
0x15: {  	[dreg:$0x9] =	wrdreg s16;
	s13 =	sadd.s32 s0, s11;
	s11 =	sadd.s32 s9, s11  }
0x16: {  	s14 =	smax.u32 s24, $0x1;
	s20 =	sadd.s32 s19, s9;
	s2 =	sadd.s32 s19, s0  }
0x17: {  	s22 =	sadd.s32 s21, s9;
	s23 =	sadd.s32 s21, s0;
	s24 =	sadd.s32 s10, s9  }
0x18: {  	s25 =	sadd.s32 s10, s0;
	s21 =	sadd.s32 s26, s0;
	[dreg:$0xa] =	wrdreg s13  }
0x19: {  	s0 =	simm.s32 $0x0;
	[dreg:$0xb] =	wrdreg s11;
	s15 =	sadd.s32 $0xFFFFFFE2, s12  }
0x1a: {  	s16 =	sadd.s32 $0xFFFFFFE2, s20;
	s17 =	sadd.s32 $0xFFFFFFE2, s2;
	[dreg:$0x5] =	wrdreg s24  }
0x1b: {  	s18 =	sadd.s32 $0xFFFFFFE2, s22;
	s19 =	sadd.s32 $0xFFFFFFE2, s23;
	[dreg:$0x4] =	wrdreg s25  }
0x1c: {  	s20 =	sadd.s32 s26, s9;
	s22 =	simm.s32 $0x80;
	s23 =	simm.s32 $0x78  }
0x1d: {  	s24 =	simm.s32 $0x100;
	s25 =	simm.s32 $0x3D00;
	s26 =	simm.s32 $0x3D80  }
.LBB2_1:
0x1e: {  	s2 =	rddreg [dreg:$0x7]  }
0x1f: {  	s5 =	rddreg [dreg:$0x6];
	s2 =	sshrl.u32 s2, $0x3  }
0x20: {  	[spmem:s2], [sflag:s7] =	dma.local [hbm:s5], $0x2760  }
0x21: {  	_ =	swait.ge [sflag:s30], $0x2760  }
0x22: {  	[sflag:s30] =	ssyncset.done $0x0  }
0x23: {  	[sflag:s30] =	ssyncadd.s32 $0xFFFFD8A0  }
0x24: {  	[bflag:$0x0] =	sbarrier.arrive $0xFFFF  }
0x25: {  	s10 =	rddreg [dreg:$0x8]  }
0x26: {  	[tilespmem:s3], [sflag:$0x3] =	stream.linear.gather [hbm4b:s10+s3], $0x78, $0x38;
	[tilespmem:$0x1B500] =	vst v63  }
0x27: {  	_ =	swait.ge [sflag:s30], $0x78  }
0x28: {  	[sflag:s30] =	ssyncset.done $0x0  }
0x29: {  	s11 =	rddreg [dreg:$0x9];
	[sflag:s30] =	ssyncadd.s32 $0xFFFFFF88  }
0x2a: {  	[tilespmem:s22], [sflag:$0x3] =	stream.linear.gather [hbm4b:s11+s3], $0x78, $0x38;
	[tilespmem:$0x1B500] =	vst v63  }
0x2b: {  	_ =	swait.ge [sflag:s30], $0x78  }
0x2c: {  	[sflag:s30] =	ssyncset.done $0x0  }
0x2d: {  	[sflag:s30] =	ssyncadd.s32 $0xFFFFFF88  }
0x2e: {  	[tilespmem:s24], [sflag:$0x1] =	stream.indirect.gather [hbm4b:s4+s23], $0x80, s3, s23, $0xb8;
	[tilespmem:$0x1B500] =	vst v63  }
0x2f: {  	s12 =	rddreg [dreg:$0xa]  }
0x30: {  	[tilespmem:s25], [sflag:$0x3] =	stream.linear.gather [hbm4b:s12+s3], $0x78, $0x38;
	[tilespmem:$0x1B500] =	vst v63  }
0x31: {  	_ =	swait.ge [sflag:s30], $0x78  }
0x32: {  	[sflag:s30] =	ssyncset.done $0x0  }
0x33: {  	s13 =	rddreg [dreg:$0xb];
	[sflag:s30] =	ssyncadd.s32 $0xFFFFFF88  }
0x34: {  	[tilespmem:s26], [sflag:$0x3] =	stream.linear.gather [hbm4b:s13+s3], $0x78, $0x38;
	[tilespmem:$0x1B500] =	vst v63  }
0x35: {  	_ =	swait.ge [sflag:s30], $0x78  }
0x36: {  	[sflag:s30] =	ssyncset.done $0x0  }
0x37: {  	[sflag:s30] =	ssyncadd.s32 $0xFFFFFF88  }
0x38: {  	[tilespmem:s28], [sflag:$0x2] =	stream.indirect.gather [hbm4b:s4+s23], $0x80, s25, s23, $0xb8;
	[tilespmem:$0x1B500] =	vst v63  }
0x39: {  	_ =	swait.ge [sflag:s29], $0x3C00  }
0x3a: {  	[sflag:s29] =	ssyncset.done $0x0  }
0x3b: {  	[sflag:s29] =	ssyncadd.s32 $0xFFFFC400  }
0x3c: {  	[spmem:s1] =	stream.indirect.scatter.add.f32 [tilespmem:s24], [sflag:$0x3], $0x80, s22, s23, $0xb8;
	[tilespmem:$0x1B500] =	vst v63  }
0x3d: {  	p0 =	sle.u32 s8, $0x2;
	_ =	swait.ge [sflag:s30], $0x3C00  }
0x3e: {  	s6 =	simm.s32 @!p0 $0x0;
	s5 =	rddreg [dreg:$0x4];
	[sflag:s30] =	ssyncset.done $0x0  }
0x3f: {  	s9 =	simm.s32 @!p0 $0x3;
	[sflag:s30] =	ssyncadd.s32 $0xFFFFC400;
	s5 =	sadd.s32 @!p0 $0x0, s5  }
0x40: {  	[tilespmem:s6], [sflag:$0x3] =	stream.linear.gather @!p0 [hbm4b:s5+s6], $0x78, $0x38;
	[tilespmem:$0x1B500] =	vst v63  }
0x41: {  	_ =	swait.ge @!p0 [sflag:s9], $0x78  }
0x42: {  	s5 =	rddreg [dreg:$0x5];
	[sflag:s9] =	ssyncset.done @!p0 $0x0  }
0x43: {  	s10 =	simm.s32 @!p0 $0x80;
	[sflag:s9] =	ssyncadd.s32 @!p0 $0xFFFFFF88;
	s5 =	sadd.s32 @!p0 $0x0, s5  }
0x44: {  	[tilespmem:s10], [sflag:$0x3] =	stream.linear.gather @!p0 [hbm4b:s5+s6], $0x78, $0x38;
	[tilespmem:$0x1B500] =	vst v63  }
0x45: {  	_ =	swait.ge @!p0 [sflag:s9], $0x78  }
0x46: {  	[sflag:s9] =	ssyncset.done @!p0 $0x0  }
0x47: {  	s5 =	simm.s32 @!p0 $0x78;
	s10 =	simm.s32 @!p0 $0x100;
	[sflag:s9] =	ssyncadd.s32 @!p0 $0xFFFFFF88  }
0x48: {  	[tilespmem:s10], [sflag:$0x1] =	stream.indirect.gather @!p0 [hbm4b:s4+s5], $0x80, s6, s5, $0xb8;
	[tilespmem:$0x1B500] =	vst v63  }
0x49: {  	_ =	swait.ge [sflag:s31], $0x3C00  }
0x4a: {  	[sflag:s31] =	ssyncset.done $0x0  }
0x4b: {  	[sflag:s31] =	ssyncadd.s32 $0xFFFFC400  }
0x4c: {  	[spmem:s1] =	stream.indirect.scatter.add.f32 [tilespmem:s28], [sflag:$0x3], $0x80, s26, s23, $0xb8;
	[tilespmem:$0x1B500] =	vst v63  }
0x4d: {  	p1 =	sle.u32 s8, $0x3;
	_ =	swait.ge [sflag:s30], $0x3C00  }
0x4e: {  	s11 =	simm.s32 @!p1 $0x3;
	s5 =	sadd.s32 @!p1 $0x0, s21;
	[sflag:s30] =	ssyncset.done $0x0  }
0x4f: {  	s10 =	simm.s32 @!p1 $0x3D00;
	s6 =	simm.s32 @!p1 $0x0;
	[sflag:s30] =	ssyncadd.s32 $0xFFFFC400  }
0x50: {  	[tilespmem:s10], [sflag:$0x3] =	stream.linear.gather @!p1 [hbm4b:s5+s6], $0x78, $0x38;
	[tilespmem:$0x1B500] =	vst v63  }
0x51: {  	p0 =	sne.s32 s15, $0x1E;
	_ =	swait.ge @!p1 [sflag:s11], $0x78  }
.Ltmp0:
0x52: {  	[sflag:s11] =	ssyncset.done @!p1 $0x0;
	(pc) =	sbr.rel @!p0 .LBB2_3-.Ltmp0, $4  }
0x53: {  	s9 =	sadd.s32 @!p1 $0x0, s20;
	s5 =	simm.s32 @!p1 $0x3D80;
	[sflag:s11] =	ssyncadd.s32 @!p1 $0xFFFFFF88  }
0x54: {  	[tilespmem:s5], [sflag:$0x3] =	stream.linear.gather @!p1 [hbm4b:s9+s6], $0x78, $0x38;
	[tilespmem:$0x1B500] =	vst v63  }
0x55: {  	s12 =	simm.s32 @!p1 $0x78;
	s13 =	simm.s32 @!p1 $0x3E00;
	_ =	swait.ge @!p1 [sflag:s11], $0x78  }
0x56: {  	s5 =	simm.s32 $0x1E;
	s6 =	simm.s32 $0x3;
	[sflag:s11] =	ssyncset.done @!p1 $0x0  }
.LBB2_2:
0x57: {  	[sflag:s11] =	ssyncadd.s32 @!p1 $0xFFFFFF88  }
0x58: {  	[tilespmem:s13], [sflag:$0x2] =	stream.indirect.gather @!p1 [hbm4b:s4+s12], $0x80, s10, s12, $0xb8;
	[tilespmem:$0x1B500] =	vst v63  }
0x59: {  	_ =	swait.ge [sflag:s29], $0x3C00  }
0x5a: {  	s6 =	sadd.s32 $0x2, s6;
	[sflag:s29] =	ssyncset.done $0x0  }
0x5b: {  	s13 =	sadd.s32 $0xFFFFFFFF, s6;
	[sflag:s29] =	ssyncadd.s32 $0xFFFFC400  }
0x5c: {  	[spmem:s1] =	stream.indirect.scatter.add.f32 [tilespmem:s24], [sflag:$0x3], $0x80, s22, s23, $0xb8;
	[tilespmem:$0x1B500] =	vst v63  }
0x5d: {  	s9 =	smov.u32 s5;
	p1 =	sge.u32 s13, s8;
	_ =	swait.ge [sflag:s30], $0x3C00  }
0x5e: {  	s10 =	simm.s32 @!p1 $0x0;
	s11 =	rddreg [dreg:$0x4];
	[sflag:s30] =	ssyncset.done $0x0  }
0x5f: {  	s12 =	simm.s32 @!p1 $0x3;
	[sflag:s30] =	ssyncadd.s32 $0xFFFFC400;
	s11 =	sadd.s32 @!p1 s9, s11  }
0x60: {  	[tilespmem:s10], [sflag:$0x3] =	stream.linear.gather @!p1 [hbm4b:s11+s10], $0x78, $0x38;
	[tilespmem:$0x1B500] =	vst v63  }
0x61: {  	_ =	swait.ge @!p1 [sflag:s12], $0x78  }
0x62: {  	[sflag:s12] =	ssyncset.done @!p1 $0x0;
	s11 =	rddreg [dreg:$0x5]  }
0x63: {  	s13 =	simm.s32 @!p1 $0x80;
	[sflag:s12] =	ssyncadd.s32 @!p1 $0xFFFFFF88;
	s11 =	sadd.s32 @!p1 s9, s11  }
0x64: {  	[tilespmem:s13], [sflag:$0x3] =	stream.linear.gather @!p1 [hbm4b:s11+s10], $0x78, $0x38;
	[tilespmem:$0x1B500] =	vst v63  }
0x65: {  	_ =	swait.ge @!p1 [sflag:s12], $0x78  }
0x66: {  	[sflag:s12] =	ssyncset.done @!p1 $0x0  }
0x67: {  	s11 =	simm.s32 @!p1 $0x78;
	s13 =	simm.s32 @!p1 $0x100;
	[sflag:s12] =	ssyncadd.s32 @!p1 $0xFFFFFF88  }
0x68: {  	[tilespmem:s13], [sflag:$0x1] =	stream.indirect.gather @!p1 [hbm4b:s4+s11], $0x80, s10, s11, $0xb8;
	[tilespmem:$0x1B500] =	vst v63  }
0x69: {  	_ =	swait.ge [sflag:s31], $0x3C00  }
0x6a: {  	[sflag:s31] =	ssyncset.done $0x0  }
0x6b: {  	[sflag:s31] =	ssyncadd.s32 $0xFFFFC400  }
0x6c: {  	[spmem:s1] =	stream.indirect.scatter.add.f32 [tilespmem:s28], [sflag:$0x3], $0x80, s26, s23, $0xb8;
	[tilespmem:$0x1B500] =	vst v63  }
0x6d: {  	s5 =	sadd.s32 $0x1E, s5;
	p1 =	sge.u32 s6, s8;
	_ =	swait.ge [sflag:s30], $0x3C00  }
0x6e: {  	s12 =	sadd.s32 @!p1 s9, s21;
	s10 =	simm.s32 @!p1 $0x3D00;
	[sflag:s30] =	ssyncset.done $0x0  }
0x6f: {  	s13 =	simm.s32 @!p1 $0x0;
	s11 =	simm.s32 @!p1 $0x3;
	[sflag:s30] =	ssyncadd.s32 $0xFFFFC400  }
0x70: {  	[tilespmem:s10], [sflag:$0x3] =	stream.linear.gather @!p1 [hbm4b:s12+s13], $0x78, $0x38;
	[tilespmem:$0x1B500] =	vst v63  }
0x71: {  	p0 =	sne.s32 s15, s5;
	_ =	swait.ge @!p1 [sflag:s11], $0x78  }
.Ltmp1:
0x72: {  	[sflag:s11] =	ssyncset.done @!p1 $0x0;
	(pc) =	sbr.rel @p0 .LBB2_2-.Ltmp1, $4  }
0x73: {  	s9 =	sadd.s32 @!p1 s9, s20;
	s12 =	simm.s32 @!p1 $0x3D80;
	[sflag:s11] =	ssyncadd.s32 @!p1 $0xFFFFFF88  }
0x74: {  	[tilespmem:s12], [sflag:$0x3] =	stream.linear.gather @!p1 [hbm4b:s9+s13], $0x78, $0x38;
	[tilespmem:$0x1B500] =	vst v63  }
0x75: {  	_ =	swait.ge @!p1 [sflag:s11], $0x78  }
0x76: {  	s12 =	simm.s32 @!p1 $0x78;
	s13 =	simm.s32 @!p1 $0x3E00;
	[sflag:s11] =	ssyncset.done @!p1 $0x0  }
.LBB2_3:
0x77: {  	[sflag:s11] =	ssyncadd.s32 @!p1 $0xFFFFFF88  }
0x78: {  	[tilespmem:s13], [sflag:$0x2] =	stream.indirect.gather @!p1 [hbm4b:s4+s12], $0x80, s10, s12, $0xb8;
	[tilespmem:$0x1B500] =	vst v63  }
0x79: {  	_ =	swait.ge [sflag:s29], $0x3C00  }
0x7a: {  	[sflag:s29] =	ssyncset.done $0x0  }
0x7b: {  	s6 =	sadd.s32 $0x2, s6;
	[sflag:s29] =	ssyncadd.s32 $0xFFFFC400  }
0x7c: {  	[spmem:s1] =	stream.indirect.scatter.add.f32 [tilespmem:s24], [sflag:$0x3], $0x80, s22, s23, $0xb8;
	[tilespmem:$0x1B500] =	vst v63  }
0x7d: {  	s9 =	sadd.s32 $0xFFFFFFFF, s6;
	_ =	swait.ge [sflag:s30], $0x3C00  }
0x7e: {  	p0 =	sge.u32 s9, s8;
	[sflag:s30] =	ssyncset.done $0x0  }
0x7f: {  	s9 =	sadd.s32 @!p0 s5, s19;
	s10 =	simm.s32 @!p0 $0x0;
	[sflag:s30] =	ssyncadd.s32 $0xFFFFC400  }
0x80: {  	[tilespmem:s10], [sflag:$0x3] =	stream.linear.gather @!p0 [hbm4b:s9+s10], $0x78, $0x38;
	[tilespmem:$0x1B500] =	vst v63  }
0x81: {  	s9 =	simm.s32 @!p0 $0x3  }
0x82: {  	_ =	swait.ge @!p0 [sflag:s9], $0x78  }
0x83: {  	[sflag:s9] =	ssyncset.done @!p0 $0x0  }
0x84: {  	s11 =	sadd.s32 @!p0 s5, s18;
	s12 =	simm.s32 @!p0 $0x80;
	[sflag:s9] =	ssyncadd.s32 @!p0 $0xFFFFFF88  }
0x85: {  	[tilespmem:s12], [sflag:$0x3] =	stream.linear.gather @!p0 [hbm4b:s11+s10], $0x78, $0x38;
	[tilespmem:$0x1B500] =	vst v63  }
0x86: {  	_ =	swait.ge @!p0 [sflag:s9], $0x78  }
0x87: {  	[sflag:s9] =	ssyncset.done @!p0 $0x0  }
0x88: {  	s11 =	simm.s32 @!p0 $0x100;
	[sflag:s9] =	ssyncadd.s32 @!p0 $0xFFFFFF88;
	s9 =	simm.s32 @!p0 $0x78  }
0x89: {  	[tilespmem:s11], [sflag:$0x1] =	stream.indirect.gather @!p0 [hbm4b:s4+s9], $0x80, s10, s9, $0xb8;
	[tilespmem:$0x1B500] =	vst v63  }
0x8a: {  	_ =	swait.ge [sflag:s31], $0x3C00  }
0x8b: {  	[sflag:s31] =	ssyncset.done $0x0  }
0x8c: {  	[sflag:s31] =	ssyncadd.s32 $0xFFFFC400  }
0x8d: {  	[spmem:s1] =	stream.indirect.scatter.add.f32 [tilespmem:s28], [sflag:$0x3], $0x80, s26, s23, $0xb8;
	[tilespmem:$0x1B500] =	vst v63  }
0x8e: {  	p0 =	sge.u32 s6, s8;
	_ =	swait.ge [sflag:s30], $0x3C00  }
0x8f: {  	s6 =	sadd.s32 @!p0 s5, s17;
	[sflag:s30] =	ssyncset.done $0x0  }
0x90: {  	s9 =	simm.s32 @!p0 $0x0;
	s10 =	simm.s32 @!p0 $0x3D00;
	[sflag:s30] =	ssyncadd.s32 $0xFFFFC400  }
0x91: {  	[tilespmem:s10], [sflag:$0x3] =	stream.linear.gather @!p0 [hbm4b:s6+s9], $0x78, $0x38;
	[tilespmem:$0x1B500] =	vst v63  }
0x92: {  	s6 =	simm.s32 @!p0 $0x3  }
0x93: {  	_ =	swait.ge @!p0 [sflag:s6], $0x78  }
0x94: {  	[sflag:s6] =	ssyncset.done @!p0 $0x0  }
0x95: {  	s5 =	sadd.s32 @!p0 s5, s16;
	s11 =	simm.s32 @!p0 $0x3D80;
	[sflag:s6] =	ssyncadd.s32 @!p0 $0xFFFFFF88  }
0x96: {  	[tilespmem:s11], [sflag:$0x3] =	stream.linear.gather @!p0 [hbm4b:s5+s9], $0x78, $0x38;
	[tilespmem:$0x1B500] =	vst v63  }
0x97: {  	_ =	swait.ge @!p0 [sflag:s6], $0x78  }
0x98: {  	s0 =	sadd.s32 $0x1, s0;
	[sflag:s6] =	ssyncset.done @!p0 $0x0  }
0x99: {  	s5 =	simm.s32 @!p0 $0x78;
	[sflag:s6] =	ssyncadd.s32 @!p0 $0xFFFFFF88;
	s6 =	simm.s32 @!p0 $0x3E00  }
0x9a: {  	[tilespmem:s6], [sflag:$0x2] =	stream.indirect.gather @!p0 [hbm4b:s4+s5], $0x80, s10, s5, $0xb8;
	[tilespmem:$0x1B500] =	vst v63  }
0x9b: {  	p0 =	sne.s32 s0, s14;
	[bflag:$0x0] =	sbarrier.arrive $0xFFFF  }
.Ltmp2:
0x9c: {  	s13 =	rddreg [dreg:$0xc];
	(pc) =	sbr.rel @p0 .LBB2_1-.Ltmp2, $4  }
0x9d: {  	[hbm:s13], [sflag:s7] =	dma.local [spmem:s2], $0x2760  }
0x9e: {  	_ =	swait.ge [sflag:s30], $0x2760  }
0x9f: {  	[sflag:s30] =	ssyncset.done $0x0  }
0xa0: {  	[sflag:s30] =	ssyncadd.s32 $0xFFFFD8A0  }
0xa1: {  	_ =	sfence.sel $0x180000  }
0xa2: {  	[bflag:$0x0] =	sbarrier.arrive $0xFFFF  }
0xa3: {  	_ =	strace $0x9000004D  }
0xa4: {  	s0 =	stileid.u32;
	[bflag:$0x2] =	sbarrier.arrive $0xFFFF  }
0xa5: {  	p0 =	sne.s32 s0, $0x0;
	s0 =	rddreg [dreg:$0x3]  }
0xa6: {  	s0 =	sadd.s32 @!p0 $0x100000, s0  }
0xa7: {  	[sflag:s0] =	ssyncadd.tile.s32 @!p0 $0x1;
	_ =	shalt  }
.Lfunc_end2:
_tile_overlayer_lowered:
.L_overlay_start_2:
0xa8: {  	(tag) =	ssettag $0x2  }
0xa9: {  	s0 =	rddreg [dreg:$0x0];
	s2 =	stileid.u32  }
0xaa: {  	s1 =	rddreg [dreg:$0x1];
	p0 =	sne.s32 s2, $0x0  }
0xab: {  	s3 =	rddreg [dreg:$0x2];
	[bflag:$0x3] =	sbarrier.arrive $0xFFFF;
	s2 =	simm.s32 @!p0 $0x1C03  }
0xac: {  	[timem:s3], [sflag:s2] =	dma.local @!p0 [hbm:s0], s1  }
0xad: {  	s0 =	simm.s32 @!p0 $0x3  }
0xae: {  	_ =	swait.ge @!p0 [sflag:s0], s1  }
0xaf: {  	s1 =	ssub.s32 @!p0 $0x0, s1;
	[sflag:s0] =	ssyncset.done @!p0 $0x0  }
0xb0: {  	[sflag:s0] =	ssyncadd.s32 @!p0 s1  }
0xb1: {  	[bflag:$0x3] =	sbarrier.arrive $0xFFFF  }
0xb2: {  	_ =	shalt  }

// kernel: kernel.9.cloned.1.call-start
scs
__scs_entry_jumppad:
0x0: {  	(pc) =	sbr.rel $0x88, $3  }
0x1: {  	(tag) =	ssettag $0x0;
	lr =	simm.s32 $0x1  }
0x2: {  	[smem:$0x3F9B] =	sst lr;
	_ =	strace $0xD0000000  }
0x3: {  	_ = 	snop  }
0x4: {  	_ = 	snop  }
0x5: {  	_ = 	snop  }
0x6: {  	_ = 	snop  }
0x7: {  	_ = 	snop  }
__scs_overlays_trampoline_lowered:
0x8: {  	[smem:$0x3FAA] =	sst s0  }
0x9: {  	[smem:$0x3FAB] =	sst s1  }
0xa: {  	[smem:$0x3FAC] =	sst s2  }
0xb: {  	[smem:$0x3FAD] =	sst s3  }
0xc: {  	[smem:$0x3FAE] =	sst s4  }
0xd: {  	[smem:$0x3FAF] =	sst s5  }
0xe: {  	[smem:$0x3FB0] =	sst s6  }
0xf: {  	[smem:$0x3FB1] =	sst s7  }
0x10: {  	[smem:$0x3FB2] =	sst s8  }
0x11: {  	[smem:$0x3FB3] =	sst s9;
	s0 =	simm.s32 @!p0 $0x0  }
0x12: {  	s1 =	sld [smem:$0x3F99];
	s0 =	simm.s32 @p0 $0x1  }
0x13: {  	[smem:$0x3FB4] =	sst s0;
	s0 =	simm.s32 @!p1 $0x0  }
0x14: {  	s2 =	sld [smem:$0x3F98];
	s0 =	simm.s32 @p1 $0x1  }
0x15: {  	[smem:$0x3FB5] =	sst s0;
	s0 =	simm.s32 @!p2 $0x0  }
0x16: {  	s3 =	sld [smem:$0x3FDB];
	s0 =	simm.s32 @p2 $0x1  }
0x17: {  	s4 =	simm.s32 $0x1BF5;
	[smem:$0x3FB7] =	sst s0  }
0x18: {  	s0 =	sld [smem:$0x3F9A];
	_ =	swait.ge [sflag:s4], $0x0  }
0x19: {  	s7 =	sld [smem:$0x3F9B]  }
0x1a: {  	s8 =	sadd.s32 $0xFFFFE003, lr  }
0x1b: {  	s9 =	sadd.s32 $0xFFFFFEF7, lr;
	s5 =	simm.s32 $0xFFFFFFFF;
	p2 =	slt.u32 s8, $0xFFFFF086  }
0x1c: {  	p1 =	slt.u32 s9, $0xF7A;
	s5 =	simm.s32 @!p2 $0x0  }
0x1d: {  	s5 =	simm.s32 @p1 $0x1;
	p0 =	seq.s32 s7, s2  }
0x1e: {  	s7 =	smul.u32 @!p0 $0xF7A, s2;
	p2 =	seq.s32 @!p0 s5, $0x0  }
0x1f: {  	s9 =	smul.u32 $0xF7A, s1;
	s8 =	simm.s32 @!p0 $0x1BF5;
	p2 =	por !p2, p0  }
0x20: {  	[sflag:s8] =	ssyncset.s32 @!p0 $0xFFFFF086;
	s6 =	sadd.s32 @!p0 s3, s7;
	s7 =	simm.s32 @!p0 $0x108  }
0x21: {  	s3 =	sadd.s32 s3, s9;
	s6 =	sadd.s32 @!p0 $0x88, s6;
	s7 =	simm.s32 @p2 $0x1082  }
0x22: {  	[simem:s7], [sflag:s8] =	dma.local @!p0 [hbm:s6], $0xF7A  }
0x23: {  	s9 =	sor.u32 $0xD0000000, s2;
	s6 =	simm.s32 $0x108;
	_ =	swait.ge @!p0 [sflag:s8], $0x0  }
0x24: {  	s3 =	sadd.s32 $0x88, s3;
	s6 =	simm.s32 @!p1 $0x1082;
	[sflag:s4] =	ssyncset.s32 $0xFFFFF086  }
0x25: {  	[simem:s6], [sflag:s4] =	dma.local [hbm:s3], $0xF7A  }
0x26: {  	[smem:$0x3F9B] =	sst s1;
	(tag) =	ssettag s2;
	_ =	strace s9  }
0x27: {  	s1 =	sld [smem:$0x3FAB]  }
0x28: {  	s2 =	sld [smem:$0x3FAC]  }
0x29: {  	s4 =	sld [smem:$0x3FAE]  }
0x2a: {  	p0 =	seq.s32 s5, $0x0;
	s5 =	sld [smem:$0x3FAF]  }
0x2b: {  	s6 =	sld [smem:$0x3FB0]  }
0x2c: {  	s7 =	sld [smem:$0x3FB1]  }
0x2d: {  	s3 =	simm.s32 $0x108;
	s8 =	sld [smem:$0x3FB2]  }
0x2e: {  	s3 =	simm.s32 @!p0 $0x1082;
	s9 =	sld [smem:$0x3FB3]  }
0x2f: {  	lr =	sadd.s32 s0, s3;
	s0 =	sld [smem:$0x3FAA]  }
0x30: {  	s3 =	sld [smem:$0x3FAD]  }
0x31: {  	[smem:$0x3FB6] =	sst s10  }
0x32: {  	s10 =	sld [smem:$0x3FB4];
	_ =	sdelay $0x3  }
0x33: {  	p0 =	seq.s32 s10, $0x1;
	s10 =	sld [smem:$0x3FB6];
	_ =	sdelay $0x3  }
0x34: {  	[smem:$0x3FB6] =	sst s10  }
0x35: {  	s10 =	sld [smem:$0x3FB5];
	_ =	sdelay $0x3  }
0x36: {  	p1 =	seq.s32 s10, $0x1;
	s10 =	sld [smem:$0x3FB6];
	_ =	sdelay $0x3  }
0x37: {  	[smem:$0x3FB6] =	sst s10  }
0x38: {  	s10 =	sld [smem:$0x3FB7]  }
0x39: {  	_ = 	snop;
	(pc) =	sbr.ind lr, $3  }
0x3a: {  	_ = 	snop  }
0x3b: {  	_ = 	snop  }
0x3c: {  	p2 =	seq.s32 s10, $0x1;
	s10 =	sld [smem:$0x3FB6]  }
0x3d: {  	_ =	shalt  }
0x3e: {  	_ =	shalt  }
0x3f: {  	_ =	shalt  }
0x40: {  	_ =	shalt  }
0x41: {  	_ =	shalt  }
0x42: {  	_ =	shalt  }
0x43: {  	_ =	shalt  }
0x44: {  	_ =	shalt  }
0x45: {  	_ =	shalt  }
0x46: {  	_ =	shalt  }
0x47: {  	_ =	shalt  }
0x48: {  	_ =	shalt  }
0x49: {  	_ =	shalt  }
0x4a: {  	_ =	shalt  }
0x4b: {  	_ =	shalt  }
0x4c: {  	_ =	shalt  }
0x4d: {  	_ =	shalt  }
0x4e: {  	_ =	shalt  }
0x4f: {  	_ =	shalt  }
0x50: {  	_ =	shalt  }
0x51: {  	_ =	shalt  }
0x52: {  	_ =	shalt  }
0x53: {  	_ =	shalt  }
0x54: {  	_ =	shalt  }
0x55: {  	_ =	shalt  }
0x56: {  	_ =	shalt  }
0x57: {  	_ =	shalt  }
0x58: {  	_ =	shalt  }
0x59: {  	_ =	shalt  }
0x5a: {  	_ =	shalt  }
0x5b: {  	_ =	shalt  }
0x5c: {  	_ =	shalt  }
0x5d: {  	_ =	shalt  }
0x5e: {  	_ =	shalt  }
0x5f: {  	_ =	shalt  }
0x60: {  	_ =	shalt  }
0x61: {  	_ =	shalt  }
0x62: {  	_ =	shalt  }
0x63: {  	_ =	shalt  }
0x64: {  	_ =	shalt  }
0x65: {  	_ =	shalt  }
0x66: {  	_ =	shalt  }
0x67: {  	_ =	shalt  }
0x68: {  	_ =	shalt  }
0x69: {  	_ =	shalt  }
0x6a: {  	_ =	shalt  }
0x6b: {  	_ =	shalt  }
0x6c: {  	_ =	shalt  }
0x6d: {  	_ =	shalt  }
0x6e: {  	_ =	shalt  }
0x6f: {  	_ =	shalt  }
0x70: {  	_ =	shalt  }
0x71: {  	_ =	shalt  }
0x72: {  	_ =	shalt  }
0x73: {  	_ =	shalt  }
0x74: {  	_ =	shalt  }
0x75: {  	_ =	shalt  }
0x76: {  	_ =	shalt  }
0x77: {  	_ =	shalt  }
0x78: {  	_ =	shalt  }
0x79: {  	_ =	shalt  }
0x7a: {  	_ =	shalt  }
0x7b: {  	_ =	shalt  }
0x7c: {  	_ =	shalt  }
0x7d: {  	_ =	shalt  }
0x7e: {  	_ =	shalt  }
0x7f: {  	_ =	shalt  }
0x80: {  	_ =	shalt  }
0x81: {  	_ =	shalt  }
0x82: {  	_ =	shalt  }
0x83: {  	_ =	shalt  }
0x84: {  	_ =	shalt  }
0x85: {  	_ =	shalt  }
0x86: {  	_ =	shalt  }
0x87: {  	_ =	shalt  }
.Lfunc_end0:
.L_simem_size_0:
called_computation_lowered:
.L_overlay_start_0:
0x88: {  	s2 =	sld [smem:$0x3FD9]  }
0x89: {  	s3 =	sld [smem:$0x3FFE];
	_ =	sdelay $0x1  }
0x8a: {  	s1 =	srdreg.scid  }
0x8b: {  	s0 =	sand.u32 $0x1, s1  }
0x8c: {  	s16 =	sshll.u32 s0, $0xA;
	s2 =	sadd.s32 s3, s2  }
0x8d: {  	s2 =	sadd.s32 s2, s16  }
0x8e: {  	[smem:$0x3FC2] =	sst s2  }
0x8f: {  	_ = 	snop  }
0x90: {  	(tm) =	ssettm $0x1  }
0x91: {  	s17 =	sld [smem:$0x3FFB];
	_ =	sdelay $0x3  }
0x92: {  	_ =	strace s17  }
0x93: {  	s2 =	sld [smem:$0x3FFC];
	_ =	sdelay $0x3  }
0x94: {  	_ =	strace s2  }
0x95: {  	s2 =	sld [smem:$0x3FFD];
	_ =	sdelay $0x3  }
0x96: {  	_ =	strace s2  }
0x97: {  	_ =	strace $0x8FFFFFFF  }
0x98: {  	s18 =	sld [smem:$0x3FDB];
	_ =	sdelay $0x1  }
0x99: {  	s19 =	simm.s32 $_scs_section_size  }
0x9a: {  	s4 =	simm.s32 $_size__tile_overlayer_lowered;
	s5 =	simm.s32 $_tile_overlayer_lowered  }
0x9b: {  	s22 =	simm.s32 $0x1BFF;
	s21 =	sshll.u32 s5, $0x1;
	s2 =	sadd.s32 s19, s18  }
0x9c: {  	s6 =	simm.s32 $0x0;
	s20 =	sshll.u32 s4, $0x1;
	s4 =	sadd.s32 s21, s2  }
0x9d: {  	[timem:s6], [sflag:s22] =	dma.local [hbm:s4], s20  }
0x9e: {  	_ =	swait.ge [sflag:s22], s20  }
0x9f: {  	s3 =	ssub.s32 $0x0, s20;
	[sflag:s22] =	ssyncset.done $0x0  }
0xa0: {  	[sflag:s22] =	ssyncadd.s32 s3;
	_ =	sdelay $0x1  }
0xa1: {  	s23 =	simm.s32 $0x1B8B  }
0xa2: {  	_ =	swait.ge [sflag:s23], $0x1  }
0xa3: {  	[sflag:s23] =	ssyncset.done $0x0  }
0xa4: {  	s25 =	simm.s32 $0x1B8E;
	s24 =	sld [smem:$0x3FFE];
	[sflag:s23] =	ssyncadd.s32 $0xFFFFFFFF  }
0xa5: {  	s26 =	simm.s32 $execute0_lowered;
	[smem:$0x3FD2] =	sst s25  }
0xa6: {  	s4 =	sshll.u32 s26, $0x1;
	_ =	strace $0x80000046;
	[dreg:$0x1] =	wrdreg $0xFFFFFFFF  }
0xa7: {  	s28 =	simm.s32 $_size_execute0_lowered;
	s2 =	sadd.s32 s2, s4;
	[dreg:$0x0] =	wrdreg $0x0  }
0xa8: {  	s4 =	sshll.u32 s28, $0x1;
	[dreg:$0x2] =	wrdreg s2  }
0xa9: {  	[dreg:$0x3] =	wrdreg s4  }
0xaa: {  	[dreg:$0x4] =	wrdreg $0xC0  }
0xab: {  	_ =	task [dreg:s6], $0x5FFFF  }
0xac: {  	[dreg:$0x1] =	wrdreg $0xFFFFFFFF  }
0xad: {  	[dreg:$0x0] =	wrdreg $0x60  }
0xae: {  	[dreg:$0x2] =	wrdreg s24  }
0xaf: {  	[dreg:$0x3] =	wrdreg $0x28800  }
0xb0: {  	[dreg:$0x4] =	wrdreg $0x9  }
0xb1: {  	_ =	task.clear_ibuf [dreg:s6], $0x5FFFF;
	_ =	strace $0x90000046  }
0xb2: {  	s29 =	simm.s32 $0x9;
	_ =	strace $0x80000048  }
0xb3: {  	_ =	swait.ge [sflag:s29], $0x1  }
0xb4: {  	[sflag:s29] =	ssyncadd.s32 $0xFFFFFFFF  }
0xb5: {  	_ =	strace $0x90000048  }
0xb6: {  	_ =	sfence  }
0xb7: {  	s30 =	sld [smem:$0x0];
	_ =	sdelay $0x2  }
0xb8: {  	s31 =	sshll.u32 s1, $0xD;
	s1 =	sshrl.u32 s1, $0x2  }
0xb9: {  	s3 =	sand.u32 $0x4000, s31;
	s1 =	sadd.s32 s1, s30  }
0xba: {  	s0 =	sor.u32 s3, s0;
	s1 =	sshll.u32 s1, $0x11  }
0xbb: {  	s0 =	sor.u32 s1, s0  }
0xbc: {  	s0 =	sadd.s32 $0x8F2B, s0  }
0xbd: {  	[sflag:s0] =	ssyncadd.remote.s32 $0x1  }
0xbe: {  	_ =	sfence.sel $0xFFFF  }
0xbf: {  	[dreg:$0x0] =	wrdreg $0xFFFFFFFF;
	(pc) =	sbr.abs _section_cstart, $3  }
0xc0: {  	[dreg:$0x1] =	wrdreg $0xFFFFFFFF  }
0xc1: {  	_ =	task.clear_ibuf [dreg:s6], $0x2FFFF;
	_ =	strace $0x9FFFFFFF  }
0xc2: {  	(tm) =	ssettm $0x7FFFFFFF  }
0xc3: {  	_ =	shalt  }
tec
execute0_lowered:
.L_overlay_start_1:
0x0: {  	(tag) =	ssettag $0x1  }
0x1: {  	s6 =	rddreg [dreg:$0x0]  }
0x2: {  	s0 =	srdreg.scid;
	s2 =	rddreg [dreg:$0x1]  }
0x3: {  	s1 =	rddreg [dreg:$0x2];
	s7 =	sand.u32 $0x1, s0  }
0x4: {  	s0 =	stileid.u32;
	s4 =	smul.u32 $0x27100, s7  }
0x5: {  	s3 =	simm.s32 $0x0;
	s12 =	simm.s32 $0x80;
	s5 =	smul.u32 $0x2710, s0  }
0x6: {  	s13 =	simm.s32 $0x50;
	[smem:$0x7FF] =	sst s3;
	s29 =	smul.u32 $0x13C000, s7  }
0x7: {  	s14 =	simm.s32 $0x0;
	s8 =	smul.u32 $0x13C00, s0;
	_ =	strace $0x80000047  }
0x8: {  	s10 =	smul.u32 $0x4E200, s0;
	s7 =	ssub.s32 $0x2, s7;
	s31 =	sshll.u32 s0, $0x6  }
0x9: {  	s30 =	sshrl.u32 s7, $0x1;
	s4 =	sadd.s32 s5, s4;
	s8 =	sadd.s32 s8, s29  }
0xa: {  	s5 =	sadd.s32 $0xBE00, s6;
	s10 =	sshrl.u32 s10, $0x2;
	s11 =	ssub.s32 s7, s30  }
0xb: {  	s4 =	sshrl.u32 s4, $0x3;
	s8 =	sshrl.u32 s8, $0x3;
	s10 =	sadd.s32 s10, s2  }
0xc: {  	s9 =	sadd.s32 s4, s6;
	s4 =	sadd.s32 $0xE600, s6;
	s8 =	sadd.s32 s8, s6  }
0xd: {  	s6 =	sor.u32 $0x1C01, s31;
	s10 =	sshrl.u32 s10, $0x3;
	s7 =	sadd.s32 $0xEC00, s8  }
0xe: {  	s8 =	smax.u32 s11, $0x1;
	s9 =	sadd.s32 $0x2000, s9;
	s11 =	simm.s32 $0x1  }
.LBB2_1:
0xf: {  	[spmem:s10], [sflag:s6] =	dma.local [hbm:s5], $0x2710  }
0x10: {  	_ =	swait.ge [sflag:s11], $0x2710  }
0x11: {  	[sflag:s11] =	ssyncset.done $0x0  }
0x12: {  	[sflag:s11] =	ssyncadd.s32 $0xFFFFD8F0  }
0x13: {  	[tilespmem:s12], [sflag:$0x1] =	stream.linear.gather [hbm4b:s4+s3], $0x2800, $0x38;
	[tilespmem:$0x16100] =	vst v63  }
0x14: {  	_ =	swait.ge [sflag:s11], $0x2800  }
0x15: {  	[sflag:s11] =	ssyncset.done $0x0  }
0x16: {  	[sflag:s11] =	ssyncadd.s32 $0xFFFFD800  }
0x17: {  	s15 =	sadd.s32 $0x0, s9;
	[bflag:$0x0] =	sbarrier.arrive $0xFFFF  }
0x18: {  	[tilespmem:s3], [sflag:$0x1] =	stream.linear.gather [hbm4b:s15+s3], $0x50, $0x38;
	[tilespmem:$0x16100] =	vst v63  }
0x19: {  	_ =	swait.ge [sflag:s11], $0x50  }
0x1a: {  	[sflag:s11] =	ssyncset.done $0x0  }
0x1b: {  	[sflag:s11] =	ssyncadd.s32 $0xFFFFFFB0  }
0x1c: {  	[spmem:s2] =	stream.indirect.scatter.add.f32 [tilespmem:s12], [sflag:$0x1], $0x80, s3, s13, $0xb8;
	[tilespmem:$0x16100] =	vst v63  }
0x1d: {  	_ =	swait.ge [sflag:s11], $0x2800  }
0x1e: {  	s16 =	simm.s32 $0x14;
	s15 =	simm.s32 $0xA;
	[sflag:s11] =	ssyncset.done $0x0  }
.LBB2_2:
0x1f: {  	s17 =	sadd.s32 s15, s9  }
0x20: {  	[sflag:s11] =	ssyncadd.s32 $0xFFFFD800;
	s15 =	smov.u32 s16;
	s18 =	sadd.s32 $0xA, s16  }
0x21: {  	[tilespmem:s3], [sflag:$0x1] =	stream.linear.gather [hbm4b:s17+s3], $0x50, $0x38;
	[tilespmem:$0x16100] =	vst v63  }
0x22: {  	p0 =	sne.s32 s16, $0x4D8;
	_ =	swait.ge [sflag:s11], $0x50  }
.Ltmp0:
0x23: {  	[sflag:s11] =	ssyncset.done $0x0;
	(pc) =	sbr.rel @p0 .LBB2_2-.Ltmp0, $4  }
0x24: {  	[sflag:s11] =	ssyncadd.s32 $0xFFFFFFB0  }
0x25: {  	[spmem:s2] =	stream.indirect.scatter.add.f32 [tilespmem:s12], [sflag:$0x1], $0x80, s3, s13, $0xb8;
	[tilespmem:$0x16100] =	vst v63  }
0x26: {  	_ =	swait.ge [sflag:s11], $0x2800  }
0x27: {  	s16 =	smov.u32 s18;
	[sflag:s11] =	ssyncset.done $0x0  }
0x28: {  	s15 =	sadd.s32 s15, s9;
	[sflag:s11] =	ssyncadd.s32 $0xFFFFD800  }
0x29: {  	[tilespmem:s3], [sflag:$0x1] =	stream.linear.gather [hbm4b:s15+s3], $0x50, $0x38;
	[tilespmem:$0x16100] =	vst v63  }
0x2a: {  	_ =	swait.ge [sflag:s11], $0x50  }
0x2b: {  	[sflag:s11] =	ssyncset.done $0x0  }
0x2c: {  	[sflag:s11] =	ssyncadd.s32 $0xFFFFFFB0  }
0x2d: {  	[spmem:s2] =	stream.indirect.scatter.add.f32 [tilespmem:s12], [sflag:$0x1], $0x80, s3, s13, $0xb8;
	[tilespmem:$0x16100] =	vst v63  }
0x2e: {  	_ =	swait.ge [sflag:s11], $0x2800  }
0x2f: {  	s14 =	sadd.s32 $0x1, s14;
	[sflag:s11] =	ssyncset.done $0x0  }
0x30: {  	p0 =	sne.s32 s14, s8;
	[sflag:s11] =	ssyncadd.s32 $0xFFFFD800  }
.Ltmp1:
0x31: {  	[bflag:$0x0] =	sbarrier.arrive $0xFFFF;
	(pc) =	sbr.rel @p0 .LBB2_1-.Ltmp1, $4  }
0x32: {  	[hbm:s7], [sflag:s6] =	dma.local [spmem:s10], $0x2710  }
0x33: {  	_ =	swait.ge [sflag:s11], $0x2710  }
0x34: {  	[sflag:s11] =	ssyncset.done $0x0  }
0x35: {  	[sflag:s11] =	ssyncadd.s32 $0xFFFFD8F0  }
0x36: {  	_ =	sfence.sel $0x180000  }
0x37: {  	[bflag:$0x0] =	sbarrier.arrive $0xFFFF  }
0x38: {  	p0 =	sne.s32 s0, $0x0;
	_ =	strace $0x90000047  }
0x39: {  	s0 =	sadd.s32 @!p0 $0x100000, s1;
	[bflag:$0x2] =	sbarrier.arrive $0xFFFF  }
0x3a: {  	[sflag:s0] =	ssyncadd.tile.s32 @!p0 $0x1;
	_ =	shalt  }
.Lfunc_end2:
_tile_overlayer_lowered:
.L_overlay_start_2:
0x3b: {  	(tag) =	ssettag $0x2  }
0x3c: {  	s0 =	rddreg [dreg:$0x0];
	s2 =	stileid.u32  }
0x3d: {  	s1 =	rddreg [dreg:$0x1];
	p0 =	sne.s32 s2, $0x0  }
0x3e: {  	s3 =	rddreg [dreg:$0x2];
	[bflag:$0x3] =	sbarrier.arrive $0xFFFF;
	s2 =	simm.s32 @!p0 $0x1C01  }
0x3f: {  	[timem:s3], [sflag:s2] =	dma.local @!p0 [hbm:s0], s1  }
0x40: {  	s0 =	simm.s32 @!p0 $0x1  }
0x41: {  	_ =	swait.ge @!p0 [sflag:s0], s1  }
0x42: {  	s1 =	ssub.s32 @!p0 $0x0, s1;
	[sflag:s0] =	ssyncset.done @!p0 $0x0  }
0x43: {  	[sflag:s0] =	ssyncadd.s32 @!p0 s1  }
0x44: {  	[bflag:$0x3] =	sbarrier.arrive $0xFFFF  }
0x45: {  	_ =	shalt  }

</sc_bundles>
